<compile_context>
chip_gen: v7x
topology: tpu7x:2x2x1
jax: 0.10.2.dev20260603
libtpu: 0.0.44.dev20260713+nightly
codegen_flags: <defaults>
</compile_context>

<pallas_src>
import functools

import jax
import jax.numpy as jnp
from jax import lax
from jax.experimental import pallas as pl
from jax.experimental.pallas import tpu as pltpu
from jax.experimental.pallas import tpu_sc as plsc

B, S, D = 4, 4096, 2048
K = S // 2
S_TILE = 256
GRID = S // S_TILE
MININT = -(2**31)

ROWS_PER_TILE = 2 * K // 16
GATHER_CHUNK = 16
N_CHUNKS = ROWS_PER_TILE // GATHER_CHUNK


def _sortable_i32(f32_arr):
    bits = lax.bitcast_convert_type(f32_arr, jnp.int32)
    return jnp.where(bits >= 0, bits, bits ^ jnp.int32(0x7FFFFFFF))


ROWS_PER_STEP = B * S // GRID
BATCH_ROWS = S // ROWS_PER_STEP


def _scores_thr_body(x_ref, w_ref, b_ref, s_ref, k_ref, thr_ref, acc_ref):
    j = pl.program_id(0)
    x16 = x_ref[...].astype(jnp.bfloat16)
    w16 = w_ref[...].astype(jnp.bfloat16)
    m = lax.dot_general(w16, x16, (((1,), (1,)), ((), ())),
                        preferred_element_type=jnp.float32)
    sb = m + b_ref[0]
    s_ref[...] = sb[:, None, :]
    k_ref[...] = _sortable_i32(sb)[:, None, :]
    acc_ref[pl.ds(j // BATCH_ROWS, 1),
            pl.ds((j % BATCH_ROWS) * ROWS_PER_STEP, ROWS_PER_STEP)] = sb

    @pl.when(j == GRID - 1)
    def _():
        skey = _sortable_i32(acc_ref[...])

        def body(i, pat):
            bit = lax.shift_left(jnp.int32(1), jnp.int32(31) - i)
            cand = pat | bit
            thr_s = cand ^ jnp.int32(MININT)
            cnt = jnp.sum((skey >= thr_s).astype(jnp.int32), axis=1,
                          keepdims=True)
            return jnp.where(cnt >= K, cand, pat)

        pat = lax.fori_loop(0, 32, body, jnp.zeros((B, 1), jnp.int32))
        thr_s = pat ^ jnp.int32(MININT)
        cnt_gt = jnp.sum((skey > thr_s).astype(jnp.int32), axis=1,
                         keepdims=True)
        ne = K - cnt_gt
        thr_ref[...] = jnp.concatenate(
            [jnp.broadcast_to(thr_s, (B, 128)),
             jnp.broadcast_to(ne, (B, 128))], axis=0)


def _scores_and_thresholds(x2, W, b):
    scores3, skeys3, thr = pl.pallas_call(
        _scores_thr_body,
        grid=(GRID,),
        in_specs=[
            pl.BlockSpec((ROWS_PER_STEP, D), lambda j: (j, 0)),
            pl.BlockSpec((1, D), lambda j: (0, 0)),
            pl.BlockSpec(memory_space=pltpu.SMEM),
        ],
        out_specs=[
            pl.BlockSpec((1, 1, ROWS_PER_STEP), lambda j: (j, 0, 0)),
            pl.BlockSpec((1, 1, ROWS_PER_STEP), lambda j: (j, 0, 0)),
            pl.BlockSpec((2 * B, 128), lambda j: (0, 0)),
        ],
        out_shape=[
            jax.ShapeDtypeStruct((GRID, 1, ROWS_PER_STEP), jnp.float32),
            jax.ShapeDtypeStruct((GRID, 1, ROWS_PER_STEP), jnp.int32),
            jax.ShapeDtypeStruct((2 * B, 128), jnp.int32),
        ],
        scratch_shapes=[pltpu.VMEM((B, S), jnp.float32)],
    )(x2, W, b)
    return scores3.reshape(B, S), skeys3.reshape(B, S), thr


def _sc_select_gather(x2, skeys, thr):
    mesh = plsc.VectorSubcoreMesh(core_axis_name="c", subcore_axis_name="s")

    @functools.partial(
        pl.kernel,
        out_type=jax.ShapeDtypeStruct((B * K, D), jnp.float32),
        mesh=mesh,
        compiler_params=pltpu.CompilerParams(needs_layout_passes=False),
        scratch_types=[
            pltpu.VMEM((S,), jnp.int32),
            pltpu.VMEM((128,), jnp.int32),
            pltpu.VMEM((128,), jnp.int32),
            pltpu.VMEM((K,), jnp.int32),
            pltpu.VMEM_SHARED((2 * K,), jnp.int32),
            pltpu.VMEM((ROWS_PER_TILE,), jnp.int32),
            pltpu.VMEM((GATHER_CHUNK, D), jnp.float32),
            pltpu.VMEM((GATHER_CHUNK, D), jnp.float32),
            pltpu.VMEM((GATHER_CHUNK, D), jnp.float32),
            pltpu.SemaphoreType.DMA,
            pltpu.SemaphoreType.DMA,
            pltpu.SemaphoreType.DMA,
            pltpu.SemaphoreType.DMA,
            pltpu.SemaphoreType.DMA,
            pltpu.SemaphoreType.DMA,
        ],
    )
    def sc_kernel(x_hbm, sc_hbm, thr_hbm, out_hbm, sc_v, thr_v, ne_v, idx_v,
                  idx_sh, idxc_v, buf0, buf1, buf2, gs0, gs1, gs2,
                  ss0, ss1, ss2):
        c = lax.axis_index("c")
        s = lax.axis_index("s")

        @pl.when(s < 2)
        def _build_indices():
            b = c * 2 + s
            pltpu.sync_copy(sc_hbm.at[b], sc_v)
            pltpu.sync_copy(thr_hbm.at[b], thr_v)
            pltpu.sync_copy(thr_hbm.at[B + b], ne_v)
            t_vec = thr_v[pl.ds(0, 16)]
            ne_vec = ne_v[pl.ds(0, 16)]
            row0 = b * S

            def body(i, carry):
                off_vec, eqt_vec = carry
                skey = sc_v[pl.ds(i * 16, 16)]
                gt = skey > t_vec
                eq = skey == t_vec
                eq_rank = eqt_vec + plsc.cumsum(eq.astype(jnp.int32))
                inc = gt | (eq & (eq_rank <= ne_vec))
                pos = off_vec + plsc.cumsum(inc.astype(jnp.int32)) - 1
                gids = lax.iota(jnp.int32, 16) + (row0 + i * 16)
                plsc.store_scatter(idx_v, [pos], gids, mask=inc)
                off_vec = off_vec + plsc.all_reduce_population_count(inc)
                eqt_vec = eqt_vec + plsc.all_reduce_population_count(eq)
                return (off_vec, eqt_vec)

            zero = jnp.zeros((16,), jnp.int32)
            lax.fori_loop(0, S // 16, body, (zero, zero))
            pltpu.sync_copy(idx_v, idx_sh.at[pl.ds(s * K, K)])

        plsc.subcore_barrier()

        bl = s // 8
        ro = (s % 8) * ROWS_PER_TILE
        b = c * 2 + bl
        pltpu.sync_copy(idx_sh.at[pl.ds(bl * K + ro, ROWS_PER_TILE)], idxc_v)
        out_base = b * K + ro

        NBUF = 3
        bufs = (buf0, buf1, buf2)
        gsems = (gs0, gs1, gs2)
        ssems = (ss0, ss1, ss2)
        gath = [None] * NBUF
        scat = [None] * NBUF
        for g in range(NBUF - 1):
            iv = idxc_v[pl.ds(g * GATHER_CHUNK, GATHER_CHUNK)]
            gath[g] = pltpu.async_copy(x_hbm.at[iv], bufs[g], gsems[g])
        for g in range(N_CHUNKS):
            p = g % NBUF
            pre = g + NBUF - 1
            if pre < N_CHUNKS:
                q = pre % NBUF
                if scat[q] is not None:
                    scat[q].wait()
                iv = idxc_v[pl.ds(pre * GATHER_CHUNK, GATHER_CHUNK)]
                gath[q] = pltpu.async_copy(x_hbm.at[iv], bufs[q], gsems[q])
            gath[p].wait()
            scat[p] = pltpu.async_copy(
                bufs[p],
                out_hbm.at[pl.ds(out_base + g * GATHER_CHUNK, GATHER_CHUNK)],
                ssems[p])
        for p in range(NBUF):
            if scat[p] is not None:
                scat[p].wait()

    return sc_kernel(x2, skeys, thr)


def kernel(x, W, b):
    x2 = x.reshape(B * S, D)
    scores, skeys, thr = _scores_and_thresholds(x2, W, b)
    out2 = _sc_select_gather(x2, skeys, thr)
    return (out2.reshape(B, K, D), scores)

# --- scband reference (transcript-rebuilt; emitter-appended) ---
"""Pipeline reference for scband-mock-head-slicing-8675833938111 (READ-ONLY COPY).

The authoritative reference and input builder live on the scoring server;
editing this copy changes nothing except your own understanding.
"""

import jax, jax.numpy as jnp
import numpy as np

BATCH, SEQ_LEN, EMBED_DIM = 4, 4096, 2048
SLICING_RATIO = 0.5

def setup_inputs(seed: int = 0) -> dict:
    key = jax.random.key(seed)
    k1, k2, k3 = jax.random.split(key, 3)
    x = jax.random.normal(k1, (BATCH, SEQ_LEN, EMBED_DIM), dtype=jnp.float32)
    # Linear(embed_dim, 1) parameters
    W = jax.random.normal(k2, (1, EMBED_DIM), dtype=jnp.float32) * (1.0 / np.sqrt(EMBED_DIM))
    b = jax.random.normal(k3, (1,), dtype=jnp.float32) * 0.01
    return {"x": x, "W": W, "b": b}

def reference(x, W, b):
    batch, seq_len, _ = x.shape
    # importance_scorer(x).squeeze(-1)
    scores = (jnp.matmul(x, W.T) + b)[..., 0]  # [B, S]
    k = max(1, int(seq_len * SLICING_RATIO))
    _, indices = jax.lax.top_k(scores, k)  # [B, k]
    indices = jnp.sort(indices, axis=1)
    # x[batch_indices, indices] -> gather along seq dim
    x_sliced = jnp.take_along_axis(x, indices[:, :, None], axis=1)  # [B, k, D]
    return (x_sliced, scores)

if __name__ == "__main__":
    import jax
    _d = setup_inputs()
    print(jax.jit(kernel)(*tuple(_d.values())))

</pallas_src>

<mosaic_0001>
#map = affine_map<(d0, d1) -> (0, 0)>
module attributes {stable_mosaic.version = 14 : i64} {
  func.func @sc_kernel(%arg0: i32, %arg1: i32, %arg2: memref<16384x2048xf32, #tpu.memory_space<hbm>>, %arg3: memref<4x4096xi32, #tpu.memory_space<hbm>>, %arg4: memref<8x128xi32, #tpu.memory_space<hbm>>, %arg5: memref<8192x2048xf32, #tpu.memory_space<hbm>>, %arg6: memref<4096xi32, #tpu.memory_space<vmem>>, %arg7: memref<128xi32, #tpu.memory_space<vmem>>, %arg8: memref<128xi32, #tpu.memory_space<vmem>>, %arg9: memref<2048xi32, #tpu.memory_space<vmem>>, %arg10: memref<4096xi32, #tpu.memory_space<vmem_shared>>, %arg11: memref<256xi32, #tpu.memory_space<vmem>>, %arg12: memref<16x2048xf32, #tpu.memory_space<vmem>>, %arg13: memref<16x2048xf32, #tpu.memory_space<vmem>>, %arg14: memref<16x2048xf32, #tpu.memory_space<vmem>>, %arg15: memref<!tpu.dma_semaphore, #tpu.memory_space<semaphore_mem>>, %arg16: memref<!tpu.dma_semaphore, #tpu.memory_space<semaphore_mem>>, %arg17: memref<!tpu.dma_semaphore, #tpu.memory_space<semaphore_mem>>, %arg18: memref<!tpu.dma_semaphore, #tpu.memory_space<semaphore_mem>>, %arg19: memref<!tpu.dma_semaphore, #tpu.memory_space<semaphore_mem>>, %arg20: memref<!tpu.dma_semaphore, #tpu.memory_space<semaphore_mem>>) attributes {dimension_semantics = [#tpu.dimension_semantics<core_parallel>, #tpu.dimension_semantics<subcore_parallel>], iteration_bounds = array<i64: 2, 16>, scalar_prefetch = 0 : i64, scratch_operands = 15 : i64, tpu.core_type = #tpu.core_type<sc_vector_subcore>, window_params = [{transform_indices = #map}, {transform_indices = #map}, {transform_indices = #map}, {transform_indices = #map}]} {
    %lt3A = arith.constant 2 : i32
    %lt3A_0 = arith.cmpi slt, %arg1, %lt3A : i32
    %convert_element_type3A = arith.extui %lt3A_0 : i1 to i32
    %cond3A = arith.constant 0 : i32
    %cond3A_1 = arith.cmpi ne, %convert_element_type3A, %cond3A : i32
    scf.if %cond3A_1 {
      %mul3A_327 = arith.constant 2 : i32
      %mul3A_328 = arith.muli %arg0, %mul3A_327 : i32
      %add3A_329 = arith.addi %mul3A_328, %arg1 : i32
      "tpu.region"() ({
        %run_scoped3A = tpu.sem_alloc : memref<!tpu.dma_semaphore, #tpu.memory_space<semaphore_mem>>
        %dma_start3A_346 = arith.constant 0 : i32
        %dma_start3A_347 = tpu.memref_slice %arg3[%add3A_329, %dma_start3A_346] : memref<4x4096xi32, #tpu.memory_space<hbm>> -> memref<1x4096xi32, #tpu.memory_space<hbm>>
        %dma_start3A_348 = tpu.memref_squeeze %dma_start3A_347 : memref<1x4096xi32, #tpu.memory_space<hbm>> -> memref<4096xi32, #tpu.memory_space<hbm>>
        %dma_start3A_349 = arith.constant 0 : i32
        %dma_start3A_350 = tpu.memref_slice %arg3[%add3A_329, %dma_start3A_349] : memref<4x4096xi32, #tpu.memory_space<hbm>> -> memref<1x4096xi32, #tpu.memory_space<hbm>>
        %dma_start3A_351 = tpu.memref_squeeze %dma_start3A_350 : memref<1x4096xi32, #tpu.memory_space<hbm>> -> memref<4096xi32, #tpu.memory_space<hbm>>
        tpu.enqueue_dma source(%dma_start3A_351 : memref<4096xi32, #tpu.memory_space<hbm>>) target(%arg6 : memref<4096xi32, #tpu.memory_space<vmem>>) target_semaphore(%run_scoped3A : memref<!tpu.dma_semaphore, #tpu.memory_space<semaphore_mem>>)
        %dma_wait3A_352 = arith.constant 0 : i32
        %dma_wait3A_353 = tpu.memref_slice %arg3[%add3A_329, %dma_wait3A_352] : memref<4x4096xi32, #tpu.memory_space<hbm>> -> memref<1x4096xi32, #tpu.memory_space<hbm>>
        %dma_wait3A_354 = tpu.memref_squeeze %dma_wait3A_353 : memref<1x4096xi32, #tpu.memory_space<hbm>> -> memref<4096xi32, #tpu.memory_space<hbm>>
        %dma_wait3A_355 = arith.constant 0 : i32
        %dma_wait3A_356 = tpu.memref_slice %arg3[%add3A_329, %dma_wait3A_355] : memref<4x4096xi32, #tpu.memory_space<hbm>> -> memref<1x4096xi32, #tpu.memory_space<hbm>>
        %dma_wait3A_357 = tpu.memref_squeeze %dma_wait3A_356 : memref<1x4096xi32, #tpu.memory_space<hbm>> -> memref<4096xi32, #tpu.memory_space<hbm>>
        tpu.wait_dma2 semaphore(%run_scoped3A : memref<!tpu.dma_semaphore, #tpu.memory_space<semaphore_mem>>) src(%dma_wait3A_357 : memref<4096xi32, #tpu.memory_space<hbm>>) dst(%arg6 : memref<4096xi32, #tpu.memory_space<vmem>>)
        tpu.yield
      }) : () -> ()
      "tpu.region"() ({
        %run_scoped3A = tpu.sem_alloc : memref<!tpu.dma_semaphore, #tpu.memory_space<semaphore_mem>>
        %dma_start3A_346 = arith.constant 0 : i32
        %dma_start3A_347 = tpu.memref_slice %arg4[%add3A_329, %dma_start3A_346] : memref<8x128xi32, #tpu.memory_space<hbm>> -> memref<1x128xi32, #tpu.memory_space<hbm>>
        %dma_start3A_348 = tpu.memref_squeeze %dma_start3A_347 : memref<1x128xi32, #tpu.memory_space<hbm>> -> memref<128xi32, #tpu.memory_space<hbm>>
        %dma_start3A_349 = arith.constant 0 : i32
        %dma_start3A_350 = tpu.memref_slice %arg4[%add3A_329, %dma_start3A_349] : memref<8x128xi32, #tpu.memory_space<hbm>> -> memref<1x128xi32, #tpu.memory_space<hbm>>
        %dma_start3A_351 = tpu.memref_squeeze %dma_start3A_350 : memref<1x128xi32, #tpu.memory_space<hbm>> -> memref<128xi32, #tpu.memory_space<hbm>>
        tpu.enqueue_dma source(%dma_start3A_351 : memref<128xi32, #tpu.memory_space<hbm>>) target(%arg7 : memref<128xi32, #tpu.memory_space<vmem>>) target_semaphore(%run_scoped3A : memref<!tpu.dma_semaphore, #tpu.memory_space<semaphore_mem>>)
        %dma_wait3A_352 = arith.constant 0 : i32
        %dma_wait3A_353 = tpu.memref_slice %arg4[%add3A_329, %dma_wait3A_352] : memref<8x128xi32, #tpu.memory_space<hbm>> -> memref<1x128xi32, #tpu.memory_space<hbm>>
        %dma_wait3A_354 = tpu.memref_squeeze %dma_wait3A_353 : memref<1x128xi32, #tpu.memory_space<hbm>> -> memref<128xi32, #tpu.memory_space<hbm>>
        %dma_wait3A_355 = arith.constant 0 : i32
        %dma_wait3A_356 = tpu.memref_slice %arg4[%add3A_329, %dma_wait3A_355] : memref<8x128xi32, #tpu.memory_space<hbm>> -> memref<1x128xi32, #tpu.memory_space<hbm>>
        %dma_wait3A_357 = tpu.memref_squeeze %dma_wait3A_356 : memref<1x128xi32, #tpu.memory_space<hbm>> -> memref<128xi32, #tpu.memory_space<hbm>>
        tpu.wait_dma2 semaphore(%run_scoped3A : memref<!tpu.dma_semaphore, #tpu.memory_space<semaphore_mem>>) src(%dma_wait3A_357 : memref<128xi32, #tpu.memory_space<hbm>>) dst(%arg7 : memref<128xi32, #tpu.memory_space<vmem>>)
        tpu.yield
      }) : () -> ()
      %add3A_330 = arith.constant 4 : i32
      %add3A_331 = arith.addi %add3A_330, %add3A_329 : i32
      "tpu.region"() ({
        %run_scoped3A = tpu.sem_alloc : memref<!tpu.dma_semaphore, #tpu.memory_space<semaphore_mem>>
        %dma_start3A_346 = arith.constant 0 : i32
        %dma_start3A_347 = tpu.memref_slice %arg4[%add3A_331, %dma_start3A_346] : memref<8x128xi32, #tpu.memory_space<hbm>> -> memref<1x128xi32, #tpu.memory_space<hbm>>
        %dma_start3A_348 = tpu.memref_squeeze %dma_start3A_347 : memref<1x128xi32, #tpu.memory_space<hbm>> -> memref<128xi32, #tpu.memory_space<hbm>>
        %dma_start3A_349 = arith.constant 0 : i32
        %dma_start3A_350 = tpu.memref_slice %arg4[%add3A_331, %dma_start3A_349] : memref<8x128xi32, #tpu.memory_space<hbm>> -> memref<1x128xi32, #tpu.memory_space<hbm>>
        %dma_start3A_351 = tpu.memref_squeeze %dma_start3A_350 : memref<1x128xi32, #tpu.memory_space<hbm>> -> memref<128xi32, #tpu.memory_space<hbm>>
        tpu.enqueue_dma source(%dma_start3A_351 : memref<128xi32, #tpu.memory_space<hbm>>) target(%arg8 : memref<128xi32, #tpu.memory_space<vmem>>) target_semaphore(%run_scoped3A : memref<!tpu.dma_semaphore, #tpu.memory_space<semaphore_mem>>)
        %dma_wait3A_352 = arith.constant 0 : i32
        %dma_wait3A_353 = tpu.memref_slice %arg4[%add3A_331, %dma_wait3A_352] : memref<8x128xi32, #tpu.memory_space<hbm>> -> memref<1x128xi32, #tpu.memory_space<hbm>>
        %dma_wait3A_354 = tpu.memref_squeeze %dma_wait3A_353 : memref<1x128xi32, #tpu.memory_space<hbm>> -> memref<128xi32, #tpu.memory_space<hbm>>
        %dma_wait3A_355 = arith.constant 0 : i32
        %dma_wait3A_356 = tpu.memref_slice %arg4[%add3A_331, %dma_wait3A_355] : memref<8x128xi32, #tpu.memory_space<hbm>> -> memref<1x128xi32, #tpu.memory_space<hbm>>
        %dma_wait3A_357 = tpu.memref_squeeze %dma_wait3A_356 : memref<1x128xi32, #tpu.memory_space<hbm>> -> memref<128xi32, #tpu.memory_space<hbm>>
        tpu.wait_dma2 semaphore(%run_scoped3A : memref<!tpu.dma_semaphore, #tpu.memory_space<semaphore_mem>>) src(%dma_wait3A_357 : memref<128xi32, #tpu.memory_space<hbm>>) dst(%arg8 : memref<128xi32, #tpu.memory_space<vmem>>)
        tpu.yield
      }) : () -> ()
      %get3A_332 = arith.constant 0 : index
      %get3A_333 = tpu.vector_load %arg7[%get3A_332] {strides = array<i32>} : memref<128xi32, #tpu.memory_space<vmem>>, vector<16xi32>,
      %get3A_334 = arith.constant 0 : index
      %get3A_335 = tpu.vector_load %arg8[%get3A_334] {strides = array<i32>} : memref<128xi32, #tpu.memory_space<vmem>>, vector<16xi32>,
      %mul3A_336 = arith.constant 4096 : i32
      %mul3A_337 = arith.muli %add3A_329, %mul3A_336 : i32
      %broadcast_in_dim3A = arith.constant 0 : i32
      %broadcast_in_dim3A_338 = vector.broadcast %broadcast_in_dim3A : i32 to vector<16xi32>
      %scan3A = arith.constant 0 : i32
      %scan3A_339 = arith.constant 256 : i32
      %scan3A_340 = arith.addi %scan3A, %scan3A_339 : i32
      %scan3A_341 = arith.constant 1 : i32
      %scan3A_342:2 = scf.for %scan3A_346 = %scan3A to %scan3A_340 step %scan3A_341 iter_args(%scan3A_347 = %broadcast_in_dim3A_338, %scan3A_348 = %broadcast_in_dim3A_338) -> (vector<16xi32>, vector<16xi32>)  : i32 {
        %mul3A_349 = arith.constant 16 : i32
        %mul3A_350 = arith.muli %scan3A_346, %mul3A_349 : i32
        %get3A_351 = arith.index_cast %mul3A_350 : i32 to index
        %get3A_352 = tpu.vector_load %arg6[%get3A_351] {strides = array<i32>} : memref<4096xi32, #tpu.memory_space<vmem>>, vector<16xi32>,
        %gt3A = arith.cmpi sgt, %get3A_352, %get3A_333 : vector<16xi32>
        %eq3A_353 = arith.cmpi eq, %get3A_352, %get3A_333 : vector<16xi32>
        %convert_element_type3A_354 = arith.extui %eq3A_353 : vector<16xi1> to vector<16xi32>
        %broadcast_in_dim3A_355 = arith.constant true
        %broadcast_in_dim3A_356 = vector.broadcast %broadcast_in_dim3A_355 : i1 to vector<16xi1>
        %masked_cumsum3A = tpu.scan <sum>, %convert_element_type3A_354 masked %broadcast_in_dim3A_356 : vector<16xi32>, vector<16xi1> -> vector<16xi32>
        %add3A_357 = arith.addi %scan3A_348, %masked_cumsum3A : vector<16xi32>
        %le3A = arith.cmpi sle, %add3A_357, %get3A_335 : vector<16xi32>
        %and3A_358 = arith.andi %eq3A_353, %le3A : vector<16xi1>
        %or3A = arith.ori %gt3A, %and3A_358 : vector<16xi1>
        %convert_element_type3A_359 = arith.extui %or3A : vector<16xi1> to vector<16xi32>
        %broadcast_in_dim3A_360 = arith.constant true
        %broadcast_in_dim3A_361 = vector.broadcast %broadcast_in_dim3A_360 : i1 to vector<16xi1>
        %masked_cumsum3A_362 = tpu.scan <sum>, %convert_element_type3A_359 masked %broadcast_in_dim3A_361 : vector<16xi32>, vector<16xi1> -> vector<16xi32>
        %add3A_363 = arith.addi %scan3A_347, %masked_cumsum3A_362 : vector<16xi32>
        %sub3A_364 = arith.constant 1 : i32
        %sub3A_365 = vector.broadcast %sub3A_364 : i32 to vector<16xi32>
        %sub3A_366 = arith.subi %add3A_363, %sub3A_365 : vector<16xi32>
        %iota3A = tpu.iota {dimensions = array<i32: 0>} : vector<16xi32>
        %mul3A_367 = arith.constant 16 : i32
        %mul3A_368 = arith.muli %scan3A_346, %mul3A_367 : i32
        %add3A_369 = arith.addi %mul3A_337, %mul3A_368 : i32
        %add3A_370 = vector.broadcast %add3A_369 : i32 to vector<16xi32>
        %add3A_371 = arith.addi %iota3A, %add3A_370 : vector<16xi32>
        tpu.vector_store_idx %arg9[%sub3A_366], %add3A_371 masked %or3A : memref<2048xi32, #tpu.memory_space<vmem>>[vector<16xi32>], vector<16xi32>, vector<16xi1>
        %all_reduce_population_count3A = tpu.all_reduce %or3A {dim = 0 : i64, kind = #tpu.reduction_kind<sum>} : vector<16xi1> -> vector<16xi32>
        %add3A_372 = arith.addi %scan3A_347, %all_reduce_population_count3A : vector<16xi32>
        %all_reduce_population_count3A_373 = tpu.all_reduce %eq3A_353 {dim = 0 : i64, kind = #tpu.reduction_kind<sum>} : vector<16xi1> -> vector<16xi32>
        %add3A_374 = arith.addi %scan3A_348, %all_reduce_population_count3A_373 : vector<16xi32>
        scf.yield %add3A_372, %add3A_374 : vector<16xi32>, vector<16xi32>
      }
      %scan3A_343 = arith.constant 256 : i32
      %mul3A_344 = arith.constant 2048 : i32
      %mul3A_345 = arith.muli %arg1, %mul3A_344 : i32
      "tpu.region"() ({
        %run_scoped3A = tpu.sem_alloc : memref<!tpu.dma_semaphore, #tpu.memory_space<semaphore_mem>>
        %dma_start3A_346 = tpu.memref_slice %arg10[%mul3A_345] : memref<4096xi32, #tpu.memory_space<vmem_shared>> -> memref<2048xi32, #tpu.memory_space<vmem_shared>>
        %dma_start3A_347 = tpu.memref_slice %arg10[%mul3A_345] : memref<4096xi32, #tpu.memory_space<vmem_shared>> -> memref<2048xi32, #tpu.memory_space<vmem_shared>>
        tpu.enqueue_dma source(%arg9 : memref<2048xi32, #tpu.memory_space<vmem>>) target(%dma_start3A_347 : memref<2048xi32, #tpu.memory_space<vmem_shared>>) target_semaphore(%run_scoped3A : memref<!tpu.dma_semaphore, #tpu.memory_space<semaphore_mem>>)
        %dma_wait3A_348 = tpu.memref_slice %arg10[%mul3A_345] : memref<4096xi32, #tpu.memory_space<vmem_shared>> -> memref<2048xi32, #tpu.memory_space<vmem_shared>>
        %dma_wait3A_349 = tpu.memref_slice %arg10[%mul3A_345] : memref<4096xi32, #tpu.memory_space<vmem_shared>> -> memref<2048xi32, #tpu.memory_space<vmem_shared>>
        tpu.wait_dma2 semaphore(%run_scoped3A : memref<!tpu.dma_semaphore, #tpu.memory_space<semaphore_mem>>) src(%arg9 : memref<2048xi32, #tpu.memory_space<vmem>>) dst(%dma_wait3A_349 : memref<2048xi32, #tpu.memory_space<vmem_shared>>)
        tpu.yield
      }) : () -> ()
    } else {
    }
    %barrier3A = arith.constant 0 : index
    tpu.barrier barrier_id(%barrier3A)
    %jit3A = arith.constant 8 : i32
    %div3A = arith.divsi %arg1, %jit3A : i32
    %sign3A = arith.constant 0 : i32
    %sign3A_2 = arith.cmpi sgt, %arg1, %sign3A : i32
    %sign3A_3 = arith.extui %sign3A_2 : i1 to i32
    %sign3A_4 = arith.constant 0 : i32
    %sign3A_5 = arith.cmpi slt, %arg1, %sign3A_4 : i32
    %sign3A_6 = arith.extui %sign3A_5 : i1 to i32
    %sign3A_7 = arith.subi %sign3A_3, %sign3A_6 : i32
    %sign3A_8 = arith.constant 0 : i32
    %sign3A_9 = arith.cmpi sgt, %jit3A, %sign3A_8 : i32
    %sign3A_10 = arith.extui %sign3A_9 : i1 to i32
    %sign3A_11 = arith.constant 0 : i32
    %sign3A_12 = arith.cmpi slt, %jit3A, %sign3A_11 : i32
    %sign3A_13 = arith.extui %sign3A_12 : i1 to i32
    %sign3A_14 = arith.subi %sign3A_10, %sign3A_13 : i32
    %ne3A = arith.cmpi ne, %sign3A_7, %sign3A_14 : i32
    %rem3A = arith.remsi %arg1, %jit3A : i32
    %ne3A_15 = arith.constant 0 : i32
    %ne3A_16 = arith.cmpi ne, %rem3A, %ne3A_15 : i32
    %and3A = arith.andi %ne3A, %ne3A_16 : i1
    %sub3A = arith.constant 1 : i32
    %sub3A_17 = arith.subi %div3A, %sub3A : i32
    %select_n3A = arith.select %and3A, %sub3A_17, %div3A : i32
    %jit3A_18 = arith.constant 8 : i32
    %eq3A = arith.constant 0 : i32
    %eq3A_19 = arith.cmpi eq, %jit3A_18, %eq3A : i32
    %jit3A_20 = arith.constant 1 : i32
    %select_n3A_21 = arith.select %eq3A_19, %jit3A_20, %jit3A_18 : i32
    %rem3A_22 = arith.remsi %arg1, %select_n3A_21 : i32
    %ne3A_23 = arith.constant 0 : i32
    %ne3A_24 = arith.cmpi ne, %rem3A_22, %ne3A_23 : i32
    %lt3A_25 = arith.constant 0 : i32
    %lt3A_26 = arith.cmpi slt, %rem3A_22, %lt3A_25 : i32
    %lt3A_27 = arith.constant 0 : i32
    %lt3A_28 = arith.cmpi slt, %select_n3A_21, %lt3A_27 : i32
    %ne3A_29 = arith.xori %lt3A_26, %lt3A_28 : i1
    %and3A_30 = arith.andi %ne3A_29, %ne3A_24 : i1
    %add3A = arith.addi %rem3A_22, %select_n3A_21 : i32
    %select_n3A_31 = arith.select %and3A_30, %add3A, %rem3A_22 : i32
    %mul3A = arith.constant 256 : i32
    %mul3A_32 = arith.muli %select_n3A_31, %mul3A : i32
    %mul3A_33 = arith.constant 2 : i32
    %mul3A_34 = arith.muli %arg0, %mul3A_33 : i32
    %add3A_35 = arith.addi %mul3A_34, %select_n3A : i32
    %mul3A_36 = arith.constant 2048 : i32
    %mul3A_37 = arith.muli %select_n3A, %mul3A_36 : i32
    %add3A_38 = arith.addi %mul3A_37, %mul3A_32 : i32
    "tpu.region"() ({
      %run_scoped3A = tpu.sem_alloc : memref<!tpu.dma_semaphore, #tpu.memory_space<semaphore_mem>>
      %dma_start3A_327 = tpu.memref_slice %arg10[%add3A_38] : memref<4096xi32, #tpu.memory_space<vmem_shared>> -> memref<256xi32, #tpu.memory_space<vmem_shared>>
      %dma_start3A_328 = tpu.memref_slice %arg10[%add3A_38] : memref<4096xi32, #tpu.memory_space<vmem_shared>> -> memref<256xi32, #tpu.memory_space<vmem_shared>>
      tpu.enqueue_dma source(%dma_start3A_328 : memref<256xi32, #tpu.memory_space<vmem_shared>>) target(%arg11 : memref<256xi32, #tpu.memory_space<vmem>>) target_semaphore(%run_scoped3A : memref<!tpu.dma_semaphore, #tpu.memory_space<semaphore_mem>>)
      %dma_wait3A_329 = tpu.memref_slice %arg10[%add3A_38] : memref<4096xi32, #tpu.memory_space<vmem_shared>> -> memref<256xi32, #tpu.memory_space<vmem_shared>>
      %dma_wait3A_330 = tpu.memref_slice %arg10[%add3A_38] : memref<4096xi32, #tpu.memory_space<vmem_shared>> -> memref<256xi32, #tpu.memory_space<vmem_shared>>
      tpu.wait_dma2 semaphore(%run_scoped3A : memref<!tpu.dma_semaphore, #tpu.memory_space<semaphore_mem>>) src(%dma_wait3A_330 : memref<256xi32, #tpu.memory_space<vmem_shared>>) dst(%arg11 : memref<256xi32, #tpu.memory_space<vmem>>)
      tpu.yield
    }) : () -> ()
    %mul3A_39 = arith.constant 2048 : i32
    %mul3A_40 = arith.muli %add3A_35, %mul3A_39 : i32
    %add3A_41 = arith.addi %mul3A_40, %mul3A_32 : i32
    %get3A = arith.constant 0 : index
    %get3A_42 = tpu.vector_load %arg11[%get3A] {strides = array<i32>} : memref<256xi32, #tpu.memory_space<vmem>>, vector<16xi32>,
    %dma_start3A = arith.constant 0 : i32
    %dma_start3A_43 = arith.constant 0 : i32
    %dma_start3A_44 = tpu.memref_slice %arg2[%dma_start3A, %dma_start3A_43] : memref<16384x2048xf32, #tpu.memory_space<hbm>> -> memref<16384x2048xf32, #tpu.memory_space<hbm>>
    tpu.enqueue_indirect_dma source(%dma_start3A_44 : memref<16384x2048xf32, #tpu.memory_space<hbm>>) target(%arg12 : memref<16x2048xf32, #tpu.memory_space<vmem>>) offsets(%get3A_42 : vector<16xi32>) semaphore(%arg15 : memref<!tpu.dma_semaphore, #tpu.memory_space<semaphore_mem>>)
    %get3A_45 = arith.constant 16 : index
    %get3A_46 = tpu.vector_load %arg11[%get3A_45] {strides = array<i32>} : memref<256xi32, #tpu.memory_space<vmem>>, vector<16xi32>,
    %dma_start3A_47 = arith.constant 0 : i32
    %dma_start3A_48 = arith.constant 0 : i32
    %dma_start3A_49 = tpu.memref_slice %arg2[%dma_start3A_47, %dma_start3A_48] : memref<16384x2048xf32, #tpu.memory_space<hbm>> -> memref<16384x2048xf32, #tpu.memory_space<hbm>>
    tpu.enqueue_indirect_dma source(%dma_start3A_49 : memref<16384x2048xf32, #tpu.memory_space<hbm>>) target(%arg13 : memref<16x2048xf32, #tpu.memory_space<vmem>>) offsets(%get3A_46 : vector<16xi32>) semaphore(%arg16 : memref<!tpu.dma_semaphore, #tpu.memory_space<semaphore_mem>>)
    %get3A_50 = arith.constant 32 : index
    %get3A_51 = tpu.vector_load %arg11[%get3A_50] {strides = array<i32>} : memref<256xi32, #tpu.memory_space<vmem>>, vector<16xi32>,
    %dma_start3A_52 = arith.constant 0 : i32
    %dma_start3A_53 = arith.constant 0 : i32
    %dma_start3A_54 = tpu.memref_slice %arg2[%dma_start3A_52, %dma_start3A_53] : memref<16384x2048xf32, #tpu.memory_space<hbm>> -> memref<16384x2048xf32, #tpu.memory_space<hbm>>
    tpu.enqueue_indirect_dma source(%dma_start3A_54 : memref<16384x2048xf32, #tpu.memory_space<hbm>>) target(%arg14 : memref<16x2048xf32, #tpu.memory_space<vmem>>) offsets(%get3A_51 : vector<16xi32>) semaphore(%arg17 : memref<!tpu.dma_semaphore, #tpu.memory_space<semaphore_mem>>)
    %dma_wait3A = arith.constant 0 : i32
    %dma_wait3A_55 = arith.constant 0 : i32
    %dma_wait3A_56 = tpu.memref_slice %arg2[%dma_wait3A, %dma_wait3A_55] : memref<16384x2048xf32, #tpu.memory_space<hbm>> -> memref<16384x2048xf32, #tpu.memory_space<hbm>>
    tpu.wait_indirect_dma semaphore(%arg15 : memref<!tpu.dma_semaphore, #tpu.memory_space<semaphore_mem>>) src(%dma_wait3A_56 : memref<16384x2048xf32, #tpu.memory_space<hbm>>) dst(%arg12 : memref<16x2048xf32, #tpu.memory_space<vmem>>)
    %add3A_57 = arith.constant 0 : i32
    %add3A_58 = arith.addi %add3A_41, %add3A_57 : i32
    %dma_start3A_59 = arith.constant 0 : i32
    %dma_start3A_60 = tpu.memref_slice %arg5[%add3A_58, %dma_start3A_59] : memref<8192x2048xf32, #tpu.memory_space<hbm>> -> memref<16x2048xf32, #tpu.memory_space<hbm>>
    %dma_start3A_61 = arith.constant 0 : i32
    %dma_start3A_62 = tpu.memref_slice %arg5[%add3A_58, %dma_start3A_61] : memref<8192x2048xf32, #tpu.memory_space<hbm>> -> memref<16x2048xf32, #tpu.memory_space<hbm>>
    tpu.enqueue_dma source(%arg12 : memref<16x2048xf32, #tpu.memory_space<vmem>>) target(%dma_start3A_62 : memref<16x2048xf32, #tpu.memory_space<hbm>>) target_semaphore(%arg18 : memref<!tpu.dma_semaphore, #tpu.memory_space<semaphore_mem>>)
    %dma_wait3A_63 = arith.constant 0 : i32
    %dma_wait3A_64 = tpu.memref_slice %arg5[%add3A_58, %dma_wait3A_63] : memref<8192x2048xf32, #tpu.memory_space<hbm>> -> memref<16x2048xf32, #tpu.memory_space<hbm>>
    %dma_wait3A_65 = arith.constant 0 : i32
    %dma_wait3A_66 = tpu.memref_slice %arg5[%add3A_58, %dma_wait3A_65] : memref<8192x2048xf32, #tpu.memory_space<hbm>> -> memref<16x2048xf32, #tpu.memory_space<hbm>>
    tpu.wait_dma2 semaphore(%arg18 : memref<!tpu.dma_semaphore, #tpu.memory_space<semaphore_mem>>) src(%arg12 : memref<16x2048xf32, #tpu.memory_space<vmem>>) dst(%dma_wait3A_66 : memref<16x2048xf32, #tpu.memory_space<hbm>>)
    %get3A_67 = arith.constant 48 : index
    %get3A_68 = tpu.vector_load %arg11[%get3A_67] {strides = array<i32>} : memref<256xi32, #tpu.memory_space<vmem>>, vector<16xi32>,
    %dma_start3A_69 = arith.constant 0 : i32
    %dma_start3A_70 = arith.constant 0 : i32
    %dma_start3A_71 = tpu.memref_slice %arg2[%dma_start3A_69, %dma_start3A_70] : memref<16384x2048xf32, #tpu.memory_space<hbm>> -> memref<16384x2048xf32, #tpu.memory_space<hbm>>
    tpu.enqueue_indirect_dma source(%dma_start3A_71 : memref<16384x2048xf32, #tpu.memory_space<hbm>>) target(%arg12 : memref<16x2048xf32, #tpu.memory_space<vmem>>) offsets(%get3A_68 : vector<16xi32>) semaphore(%arg15 : memref<!tpu.dma_semaphore, #tpu.memory_space<semaphore_mem>>)
    %dma_wait3A_72 = arith.constant 0 : i32
    %dma_wait3A_73 = arith.constant 0 : i32
    %dma_wait3A_74 = tpu.memref_slice %arg2[%dma_wait3A_72, %dma_wait3A_73] : memref<16384x2048xf32, #tpu.memory_space<hbm>> -> memref<16384x2048xf32, #tpu.memory_space<hbm>>
    tpu.wait_indirect_dma semaphore(%arg16 : memref<!tpu.dma_semaphore, #tpu.memory_space<semaphore_mem>>) src(%dma_wait3A_74 : memref<16384x2048xf32, #tpu.memory_space<hbm>>) dst(%arg13 : memref<16x2048xf32, #tpu.memory_space<vmem>>)
    %add3A_75 = arith.constant 16 : i32
    %add3A_76 = arith.addi %add3A_41, %add3A_75 : i32
    %dma_start3A_77 = arith.constant 0 : i32
    %dma_start3A_78 = tpu.memref_slice %arg5[%add3A_76, %dma_start3A_77] : memref<8192x2048xf32, #tpu.memory_space<hbm>> -> memref<16x2048xf32, #tpu.memory_space<hbm>>
    %dma_start3A_79 = arith.constant 0 : i32
    %dma_start3A_80 = tpu.memref_slice %arg5[%add3A_76, %dma_start3A_79] : memref<8192x2048xf32, #tpu.memory_space<hbm>> -> memref<16x2048xf32, #tpu.memory_space<hbm>>
    tpu.enqueue_dma source(%arg13 : memref<16x2048xf32, #tpu.memory_space<vmem>>) target(%dma_start3A_80 : memref<16x2048xf32, #tpu.memory_space<hbm>>) target_semaphore(%arg19 : memref<!tpu.dma_semaphore, #tpu.memory_space<semaphore_mem>>)
    %dma_wait3A_81 = arith.constant 0 : i32
    %dma_wait3A_82 = tpu.memref_slice %arg5[%add3A_76, %dma_wait3A_81] : memref<8192x2048xf32, #tpu.memory_space<hbm>> -> memref<16x2048xf32, #tpu.memory_space<hbm>>
    %dma_wait3A_83 = arith.constant 0 : i32
    %dma_wait3A_84 = tpu.memref_slice %arg5[%add3A_76, %dma_wait3A_83] : memref<8192x2048xf32, #tpu.memory_space<hbm>> -> memref<16x2048xf32, #tpu.memory_space<hbm>>
    tpu.wait_dma2 semaphore(%arg19 : memref<!tpu.dma_semaphore, #tpu.memory_space<semaphore_mem>>) src(%arg13 : memref<16x2048xf32, #tpu.memory_space<vmem>>) dst(%dma_wait3A_84 : memref<16x2048xf32, #tpu.memory_space<hbm>>)
    %get3A_85 = arith.constant 64 : index
    %get3A_86 = tpu.vector_load %arg11[%get3A_85] {strides = array<i32>} : memref<256xi32, #tpu.memory_space<vmem>>, vector<16xi32>,
    %dma_start3A_87 = arith.constant 0 : i32
    %dma_start3A_88 = arith.constant 0 : i32
    %dma_start3A_89 = tpu.memref_slice %arg2[%dma_start3A_87, %dma_start3A_88] : memref<16384x2048xf32, #tpu.memory_space<hbm>> -> memref<16384x2048xf32, #tpu.memory_space<hbm>>
    tpu.enqueue_indirect_dma source(%dma_start3A_89 : memref<16384x2048xf32, #tpu.memory_space<hbm>>) target(%arg13 : memref<16x2048xf32, #tpu.memory_space<vmem>>) offsets(%get3A_86 : vector<16xi32>) semaphore(%arg16 : memref<!tpu.dma_semaphore, #tpu.memory_space<semaphore_mem>>)
    %dma_wait3A_90 = arith.constant 0 : i32
    %dma_wait3A_91 = arith.constant 0 : i32
    %dma_wait3A_92 = tpu.memref_slice %arg2[%dma_wait3A_90, %dma_wait3A_91] : memref<16384x2048xf32, #tpu.memory_space<hbm>> -> memref<16384x2048xf32, #tpu.memory_space<hbm>>
    tpu.wait_indirect_dma semaphore(%arg17 : memref<!tpu.dma_semaphore, #tpu.memory_space<semaphore_mem>>) src(%dma_wait3A_92 : memref<16384x2048xf32, #tpu.memory_space<hbm>>) dst(%arg14 : memref<16x2048xf32, #tpu.memory_space<vmem>>)
    %add3A_93 = arith.constant 32 : i32
    %add3A_94 = arith.addi %add3A_41, %add3A_93 : i32
    %dma_start3A_95 = arith.constant 0 : i32
    %dma_start3A_96 = tpu.memref_slice %arg5[%add3A_94, %dma_start3A_95] : memref<8192x2048xf32, #tpu.memory_space<hbm>> -> memref<16x2048xf32, #tpu.memory_space<hbm>>
    %dma_start3A_97 = arith.constant 0 : i32
    %dma_start3A_98 = tpu.memref_slice %arg5[%add3A_94, %dma_start3A_97] : memref<8192x2048xf32, #tpu.memory_space<hbm>> -> memref<16x2048xf32, #tpu.memory_space<hbm>>
    tpu.enqueue_dma source(%arg14 : memref<16x2048xf32, #tpu.memory_space<vmem>>) target(%dma_start3A_98 : memref<16x2048xf32, #tpu.memory_space<hbm>>) target_semaphore(%arg20 : memref<!tpu.dma_semaphore, #tpu.memory_space<semaphore_mem>>)
    %dma_wait3A_99 = arith.constant 0 : i32
    %dma_wait3A_100 = tpu.memref_slice %arg5[%add3A_94, %dma_wait3A_99] : memref<8192x2048xf32, #tpu.memory_space<hbm>> -> memref<16x2048xf32, #tpu.memory_space<hbm>>
    %dma_wait3A_101 = arith.constant 0 : i32
    %dma_wait3A_102 = tpu.memref_slice %arg5[%add3A_94, %dma_wait3A_101] : memref<8192x2048xf32, #tpu.memory_space<hbm>> -> memref<16x2048xf32, #tpu.memory_space<hbm>>
    tpu.wait_dma2 semaphore(%arg20 : memref<!tpu.dma_semaphore, #tpu.memory_space<semaphore_mem>>) src(%arg14 : memref<16x2048xf32, #tpu.memory_space<vmem>>) dst(%dma_wait3A_102 : memref<16x2048xf32, #tpu.memory_space<hbm>>)
    %get3A_103 = arith.constant 80 : index
    %get3A_104 = tpu.vector_load %arg11[%get3A_103] {strides = array<i32>} : memref<256xi32, #tpu.memory_space<vmem>>, vector<16xi32>,
    %dma_start3A_105 = arith.constant 0 : i32
    %dma_start3A_106 = arith.constant 0 : i32
    %dma_start3A_107 = tpu.memref_slice %arg2[%dma_start3A_105, %dma_start3A_106] : memref<16384x2048xf32, #tpu.memory_space<hbm>> -> memref<16384x2048xf32, #tpu.memory_space<hbm>>
    tpu.enqueue_indirect_dma source(%dma_start3A_107 : memref<16384x2048xf32, #tpu.memory_space<hbm>>) target(%arg14 : memref<16x2048xf32, #tpu.memory_space<vmem>>) offsets(%get3A_104 : vector<16xi32>) semaphore(%arg17 : memref<!tpu.dma_semaphore, #tpu.memory_space<semaphore_mem>>)
    %dma_wait3A_108 = arith.constant 0 : i32
    %dma_wait3A_109 = arith.constant 0 : i32
    %dma_wait3A_110 = tpu.memref_slice %arg2[%dma_wait3A_108, %dma_wait3A_109] : memref<16384x2048xf32, #tpu.memory_space<hbm>> -> memref<16384x2048xf32, #tpu.memory_space<hbm>>
    tpu.wait_indirect_dma semaphore(%arg15 : memref<!tpu.dma_semaphore, #tpu.memory_space<semaphore_mem>>) src(%dma_wait3A_110 : memref<16384x2048xf32, #tpu.memory_space<hbm>>) dst(%arg12 : memref<16x2048xf32, #tpu.memory_space<vmem>>)
    %add3A_111 = arith.constant 48 : i32
    %add3A_112 = arith.addi %add3A_41, %add3A_111 : i32
    %dma_start3A_113 = arith.constant 0 : i32
    %dma_start3A_114 = tpu.memref_slice %arg5[%add3A_112, %dma_start3A_113] : memref<8192x2048xf32, #tpu.memory_space<hbm>> -> memref<16x2048xf32, #tpu.memory_space<hbm>>
    %dma_start3A_115 = arith.constant 0 : i32
    %dma_start3A_116 = tpu.memref_slice %arg5[%add3A_112, %dma_start3A_115] : memref<8192x2048xf32, #tpu.memory_space<hbm>> -> memref<16x2048xf32, #tpu.memory_space<hbm>>
    tpu.enqueue_dma source(%arg12 : memref<16x2048xf32, #tpu.memory_space<vmem>>) target(%dma_start3A_116 : memref<16x2048xf32, #tpu.memory_space<hbm>>) target_semaphore(%arg18 : memref<!tpu.dma_semaphore, #tpu.memory_space<semaphore_mem>>)
    %dma_wait3A_117 = arith.constant 0 : i32
    %dma_wait3A_118 = tpu.memref_slice %arg5[%add3A_112, %dma_wait3A_117] : memref<8192x2048xf32, #tpu.memory_space<hbm>> -> memref<16x2048xf32, #tpu.memory_space<hbm>>
    %dma_wait3A_119 = arith.constant 0 : i32
    %dma_wait3A_120 = tpu.memref_slice %arg5[%add3A_112, %dma_wait3A_119] : memref<8192x2048xf32, #tpu.memory_space<hbm>> -> memref<16x2048xf32, #tpu.memory_space<hbm>>
    tpu.wait_dma2 semaphore(%arg18 : memref<!tpu.dma_semaphore, #tpu.memory_space<semaphore_mem>>) src(%arg12 : memref<16x2048xf32, #tpu.memory_space<vmem>>) dst(%dma_wait3A_120 : memref<16x2048xf32, #tpu.memory_space<hbm>>)
    %get3A_121 = arith.constant 96 : index
    %get3A_122 = tpu.vector_load %arg11[%get3A_121] {strides = array<i32>} : memref<256xi32, #tpu.memory_space<vmem>>, vector<16xi32>,
    %dma_start3A_123 = arith.constant 0 : i32
    %dma_start3A_124 = arith.constant 0 : i32
    %dma_start3A_125 = tpu.memref_slice %arg2[%dma_start3A_123, %dma_start3A_124] : memref<16384x2048xf32, #tpu.memory_space<hbm>> -> memref<16384x2048xf32, #tpu.memory_space<hbm>>
    tpu.enqueue_indirect_dma source(%dma_start3A_125 : memref<16384x2048xf32, #tpu.memory_space<hbm>>) target(%arg12 : memref<16x2048xf32, #tpu.memory_space<vmem>>) offsets(%get3A_122 : vector<16xi32>) semaphore(%arg15 : memref<!tpu.dma_semaphore, #tpu.memory_space<semaphore_mem>>)
    %dma_wait3A_126 = arith.constant 0 : i32
    %dma_wait3A_127 = arith.constant 0 : i32
    %dma_wait3A_128 = tpu.memref_slice %arg2[%dma_wait3A_126, %dma_wait3A_127] : memref<16384x2048xf32, #tpu.memory_space<hbm>> -> memref<16384x2048xf32, #tpu.memory_space<hbm>>
    tpu.wait_indirect_dma semaphore(%arg16 : memref<!tpu.dma_semaphore, #tpu.memory_space<semaphore_mem>>) src(%dma_wait3A_128 : memref<16384x2048xf32, #tpu.memory_space<hbm>>) dst(%arg13 : memref<16x2048xf32, #tpu.memory_space<vmem>>)
    %add3A_129 = arith.constant 64 : i32
    %add3A_130 = arith.addi %add3A_41, %add3A_129 : i32
    %dma_start3A_131 = arith.constant 0 : i32
    %dma_start3A_132 = tpu.memref_slice %arg5[%add3A_130, %dma_start3A_131] : memref<8192x2048xf32, #tpu.memory_space<hbm>> -> memref<16x2048xf32, #tpu.memory_space<hbm>>
    %dma_start3A_133 = arith.constant 0 : i32
    %dma_start3A_134 = tpu.memref_slice %arg5[%add3A_130, %dma_start3A_133] : memref<8192x2048xf32, #tpu.memory_space<hbm>> -> memref<16x2048xf32, #tpu.memory_space<hbm>>
    tpu.enqueue_dma source(%arg13 : memref<16x2048xf32, #tpu.memory_space<vmem>>) target(%dma_start3A_134 : memref<16x2048xf32, #tpu.memory_space<hbm>>) target_semaphore(%arg19 : memref<!tpu.dma_semaphore, #tpu.memory_space<semaphore_mem>>)
    %dma_wait3A_135 = arith.constant 0 : i32
    %dma_wait3A_136 = tpu.memref_slice %arg5[%add3A_130, %dma_wait3A_135] : memref<8192x2048xf32, #tpu.memory_space<hbm>> -> memref<16x2048xf32, #tpu.memory_space<hbm>>
    %dma_wait3A_137 = arith.constant 0 : i32
    %dma_wait3A_138 = tpu.memref_slice %arg5[%add3A_130, %dma_wait3A_137] : memref<8192x2048xf32, #tpu.memory_space<hbm>> -> memref<16x2048xf32, #tpu.memory_space<hbm>>
    tpu.wait_dma2 semaphore(%arg19 : memref<!tpu.dma_semaphore, #tpu.memory_space<semaphore_mem>>) src(%arg13 : memref<16x2048xf32, #tpu.memory_space<vmem>>) dst(%dma_wait3A_138 : memref<16x2048xf32, #tpu.memory_space<hbm>>)
    %get3A_139 = arith.constant 112 : index
    %get3A_140 = tpu.vector_load %arg11[%get3A_139] {strides = array<i32>} : memref<256xi32, #tpu.memory_space<vmem>>, vector<16xi32>,
    %dma_start3A_141 = arith.constant 0 : i32
    %dma_start3A_142 = arith.constant 0 : i32
    %dma_start3A_143 = tpu.memref_slice %arg2[%dma_start3A_141, %dma_start3A_142] : memref<16384x2048xf32, #tpu.memory_space<hbm>> -> memref<16384x2048xf32, #tpu.memory_space<hbm>>
    tpu.enqueue_indirect_dma source(%dma_start3A_143 : memref<16384x2048xf32, #tpu.memory_space<hbm>>) target(%arg13 : memref<16x2048xf32, #tpu.memory_space<vmem>>) offsets(%get3A_140 : vector<16xi32>) semaphore(%arg16 : memref<!tpu.dma_semaphore, #tpu.memory_space<semaphore_mem>>)
    %dma_wait3A_144 = arith.constant 0 : i32
    %dma_wait3A_145 = arith.constant 0 : i32
    %dma_wait3A_146 = tpu.memref_slice %arg2[%dma_wait3A_144, %dma_wait3A_145] : memref<16384x2048xf32, #tpu.memory_space<hbm>> -> memref<16384x2048xf32, #tpu.memory_space<hbm>>
    tpu.wait_indirect_dma semaphore(%arg17 : memref<!tpu.dma_semaphore, #tpu.memory_space<semaphore_mem>>) src(%dma_wait3A_146 : memref<16384x2048xf32, #tpu.memory_space<hbm>>) dst(%arg14 : memref<16x2048xf32, #tpu.memory_space<vmem>>)
    %add3A_147 = arith.constant 80 : i32
    %add3A_148 = arith.addi %add3A_41, %add3A_147 : i32
    %dma_start3A_149 = arith.constant 0 : i32
    %dma_start3A_150 = tpu.memref_slice %arg5[%add3A_148, %dma_start3A_149] : memref<8192x2048xf32, #tpu.memory_space<hbm>> -> memref<16x2048xf32, #tpu.memory_space<hbm>>
    %dma_start3A_151 = arith.constant 0 : i32
    %dma_start3A_152 = tpu.memref_slice %arg5[%add3A_148, %dma_start3A_151] : memref<8192x2048xf32, #tpu.memory_space<hbm>> -> memref<16x2048xf32, #tpu.memory_space<hbm>>
    tpu.enqueue_dma source(%arg14 : memref<16x2048xf32, #tpu.memory_space<vmem>>) target(%dma_start3A_152 : memref<16x2048xf32, #tpu.memory_space<hbm>>) target_semaphore(%arg20 : memref<!tpu.dma_semaphore, #tpu.memory_space<semaphore_mem>>)
    %dma_wait3A_153 = arith.constant 0 : i32
    %dma_wait3A_154 = tpu.memref_slice %arg5[%add3A_148, %dma_wait3A_153] : memref<8192x2048xf32, #tpu.memory_space<hbm>> -> memref<16x2048xf32, #tpu.memory_space<hbm>>
    %dma_wait3A_155 = arith.constant 0 : i32
    %dma_wait3A_156 = tpu.memref_slice %arg5[%add3A_148, %dma_wait3A_155] : memref<8192x2048xf32, #tpu.memory_space<hbm>> -> memref<16x2048xf32, #tpu.memory_space<hbm>>
    tpu.wait_dma2 semaphore(%arg20 : memref<!tpu.dma_semaphore, #tpu.memory_space<semaphore_mem>>) src(%arg14 : memref<16x2048xf32, #tpu.memory_space<vmem>>) dst(%dma_wait3A_156 : memref<16x2048xf32, #tpu.memory_space<hbm>>)
    %get3A_157 = arith.constant 128 : index
    %get3A_158 = tpu.vector_load %arg11[%get3A_157] {strides = array<i32>} : memref<256xi32, #tpu.memory_space<vmem>>, vector<16xi32>,
    %dma_start3A_159 = arith.constant 0 : i32
    %dma_start3A_160 = arith.constant 0 : i32
    %dma_start3A_161 = tpu.memref_slice %arg2[%dma_start3A_159, %dma_start3A_160] : memref<16384x2048xf32, #tpu.memory_space<hbm>> -> memref<16384x2048xf32, #tpu.memory_space<hbm>>
    tpu.enqueue_indirect_dma source(%dma_start3A_161 : memref<16384x2048xf32, #tpu.memory_space<hbm>>) target(%arg14 : memref<16x2048xf32, #tpu.memory_space<vmem>>) offsets(%get3A_158 : vector<16xi32>) semaphore(%arg17 : memref<!tpu.dma_semaphore, #tpu.memory_space<semaphore_mem>>)
    %dma_wait3A_162 = arith.constant 0 : i32
    %dma_wait3A_163 = arith.constant 0 : i32
    %dma_wait3A_164 = tpu.memref_slice %arg2[%dma_wait3A_162, %dma_wait3A_163] : memref<16384x2048xf32, #tpu.memory_space<hbm>> -> memref<16384x2048xf32, #tpu.memory_space<hbm>>
    tpu.wait_indirect_dma semaphore(%arg15 : memref<!tpu.dma_semaphore, #tpu.memory_space<semaphore_mem>>) src(%dma_wait3A_164 : memref<16384x2048xf32, #tpu.memory_space<hbm>>) dst(%arg12 : memref<16x2048xf32, #tpu.memory_space<vmem>>)
    %add3A_165 = arith.constant 96 : i32
    %add3A_166 = arith.addi %add3A_41, %add3A_165 : i32
    %dma_start3A_167 = arith.constant 0 : i32
    %dma_start3A_168 = tpu.memref_slice %arg5[%add3A_166, %dma_start3A_167] : memref<8192x2048xf32, #tpu.memory_space<hbm>> -> memref<16x2048xf32, #tpu.memory_space<hbm>>
    %dma_start3A_169 = arith.constant 0 : i32
    %dma_start3A_170 = tpu.memref_slice %arg5[%add3A_166, %dma_start3A_169] : memref<8192x2048xf32, #tpu.memory_space<hbm>> -> memref<16x2048xf32, #tpu.memory_space<hbm>>
    tpu.enqueue_dma source(%arg12 : memref<16x2048xf32, #tpu.memory_space<vmem>>) target(%dma_start3A_170 : memref<16x2048xf32, #tpu.memory_space<hbm>>) target_semaphore(%arg18 : memref<!tpu.dma_semaphore, #tpu.memory_space<semaphore_mem>>)
    %dma_wait3A_171 = arith.constant 0 : i32
    %dma_wait3A_172 = tpu.memref_slice %arg5[%add3A_166, %dma_wait3A_171] : memref<8192x2048xf32, #tpu.memory_space<hbm>> -> memref<16x2048xf32, #tpu.memory_space<hbm>>
    %dma_wait3A_173 = arith.constant 0 : i32
    %dma_wait3A_174 = tpu.memref_slice %arg5[%add3A_166, %dma_wait3A_173] : memref<8192x2048xf32, #tpu.memory_space<hbm>> -> memref<16x2048xf32, #tpu.memory_space<hbm>>
    tpu.wait_dma2 semaphore(%arg18 : memref<!tpu.dma_semaphore, #tpu.memory_space<semaphore_mem>>) src(%arg12 : memref<16x2048xf32, #tpu.memory_space<vmem>>) dst(%dma_wait3A_174 : memref<16x2048xf32, #tpu.memory_space<hbm>>)
    %get3A_175 = arith.constant 144 : index
    %get3A_176 = tpu.vector_load %arg11[%get3A_175] {strides = array<i32>} : memref<256xi32, #tpu.memory_space<vmem>>, vector<16xi32>,
    %dma_start3A_177 = arith.constant 0 : i32
    %dma_start3A_178 = arith.constant 0 : i32
    %dma_start3A_179 = tpu.memref_slice %arg2[%dma_start3A_177, %dma_start3A_178] : memref<16384x2048xf32, #tpu.memory_space<hbm>> -> memref<16384x2048xf32, #tpu.memory_space<hbm>>
    tpu.enqueue_indirect_dma source(%dma_start3A_179 : memref<16384x2048xf32, #tpu.memory_space<hbm>>) target(%arg12 : memref<16x2048xf32, #tpu.memory_space<vmem>>) offsets(%get3A_176 : vector<16xi32>) semaphore(%arg15 : memref<!tpu.dma_semaphore, #tpu.memory_space<semaphore_mem>>)
    %dma_wait3A_180 = arith.constant 0 : i32
    %dma_wait3A_181 = arith.constant 0 : i32
    %dma_wait3A_182 = tpu.memref_slice %arg2[%dma_wait3A_180, %dma_wait3A_181] : memref<16384x2048xf32, #tpu.memory_space<hbm>> -> memref<16384x2048xf32, #tpu.memory_space<hbm>>
    tpu.wait_indirect_dma semaphore(%arg16 : memref<!tpu.dma_semaphore, #tpu.memory_space<semaphore_mem>>) src(%dma_wait3A_182 : memref<16384x2048xf32, #tpu.memory_space<hbm>>) dst(%arg13 : memref<16x2048xf32, #tpu.memory_space<vmem>>)
    %add3A_183 = arith.constant 112 : i32
    %add3A_184 = arith.addi %add3A_41, %add3A_183 : i32
    %dma_start3A_185 = arith.constant 0 : i32
    %dma_start3A_186 = tpu.memref_slice %arg5[%add3A_184, %dma_start3A_185] : memref<8192x2048xf32, #tpu.memory_space<hbm>> -> memref<16x2048xf32, #tpu.memory_space<hbm>>
    %dma_start3A_187 = arith.constant 0 : i32
    %dma_start3A_188 = tpu.memref_slice %arg5[%add3A_184, %dma_start3A_187] : memref<8192x2048xf32, #tpu.memory_space<hbm>> -> memref<16x2048xf32, #tpu.memory_space<hbm>>
    tpu.enqueue_dma source(%arg13 : memref<16x2048xf32, #tpu.memory_space<vmem>>) target(%dma_start3A_188 : memref<16x2048xf32, #tpu.memory_space<hbm>>) target_semaphore(%arg19 : memref<!tpu.dma_semaphore, #tpu.memory_space<semaphore_mem>>)
    %dma_wait3A_189 = arith.constant 0 : i32
    %dma_wait3A_190 = tpu.memref_slice %arg5[%add3A_184, %dma_wait3A_189] : memref<8192x2048xf32, #tpu.memory_space<hbm>> -> memref<16x2048xf32, #tpu.memory_space<hbm>>
    %dma_wait3A_191 = arith.constant 0 : i32
    %dma_wait3A_192 = tpu.memref_slice %arg5[%add3A_184, %dma_wait3A_191] : memref<8192x2048xf32, #tpu.memory_space<hbm>> -> memref<16x2048xf32, #tpu.memory_space<hbm>>
    tpu.wait_dma2 semaphore(%arg19 : memref<!tpu.dma_semaphore, #tpu.memory_space<semaphore_mem>>) src(%arg13 : memref<16x2048xf32, #tpu.memory_space<vmem>>) dst(%dma_wait3A_192 : memref<16x2048xf32, #tpu.memory_space<hbm>>)
    %get3A_193 = arith.constant 160 : index
    %get3A_194 = tpu.vector_load %arg11[%get3A_193] {strides = array<i32>} : memref<256xi32, #tpu.memory_space<vmem>>, vector<16xi32>,
    %dma_start3A_195 = arith.constant 0 : i32
    %dma_start3A_196 = arith.constant 0 : i32
    %dma_start3A_197 = tpu.memref_slice %arg2[%dma_start3A_195, %dma_start3A_196] : memref<16384x2048xf32, #tpu.memory_space<hbm>> -> memref<16384x2048xf32, #tpu.memory_space<hbm>>
    tpu.enqueue_indirect_dma source(%dma_start3A_197 : memref<16384x2048xf32, #tpu.memory_space<hbm>>) target(%arg13 : memref<16x2048xf32, #tpu.memory_space<vmem>>) offsets(%get3A_194 : vector<16xi32>) semaphore(%arg16 : memref<!tpu.dma_semaphore, #tpu.memory_space<semaphore_mem>>)
    %dma_wait3A_198 = arith.constant 0 : i32
    %dma_wait3A_199 = arith.constant 0 : i32
    %dma_wait3A_200 = tpu.memref_slice %arg2[%dma_wait3A_198, %dma_wait3A_199] : memref<16384x2048xf32, #tpu.memory_space<hbm>> -> memref<16384x2048xf32, #tpu.memory_space<hbm>>
    tpu.wait_indirect_dma semaphore(%arg17 : memref<!tpu.dma_semaphore, #tpu.memory_space<semaphore_mem>>) src(%dma_wait3A_200 : memref<16384x2048xf32, #tpu.memory_space<hbm>>) dst(%arg14 : memref<16x2048xf32, #tpu.memory_space<vmem>>)
    %add3A_201 = arith.constant 128 : i32
    %add3A_202 = arith.addi %add3A_41, %add3A_201 : i32
    %dma_start3A_203 = arith.constant 0 : i32
    %dma_start3A_204 = tpu.memref_slice %arg5[%add3A_202, %dma_start3A_203] : memref<8192x2048xf32, #tpu.memory_space<hbm>> -> memref<16x2048xf32, #tpu.memory_space<hbm>>
    %dma_start3A_205 = arith.constant 0 : i32
    %dma_start3A_206 = tpu.memref_slice %arg5[%add3A_202, %dma_start3A_205] : memref<8192x2048xf32, #tpu.memory_space<hbm>> -> memref<16x2048xf32, #tpu.memory_space<hbm>>
    tpu.enqueue_dma source(%arg14 : memref<16x2048xf32, #tpu.memory_space<vmem>>) target(%dma_start3A_206 : memref<16x2048xf32, #tpu.memory_space<hbm>>) target_semaphore(%arg20 : memref<!tpu.dma_semaphore, #tpu.memory_space<semaphore_mem>>)
    %dma_wait3A_207 = arith.constant 0 : i32
    %dma_wait3A_208 = tpu.memref_slice %arg5[%add3A_202, %dma_wait3A_207] : memref<8192x2048xf32, #tpu.memory_space<hbm>> -> memref<16x2048xf32, #tpu.memory_space<hbm>>
    %dma_wait3A_209 = arith.constant 0 : i32
    %dma_wait3A_210 = tpu.memref_slice %arg5[%add3A_202, %dma_wait3A_209] : memref<8192x2048xf32, #tpu.memory_space<hbm>> -> memref<16x2048xf32, #tpu.memory_space<hbm>>
    tpu.wait_dma2 semaphore(%arg20 : memref<!tpu.dma_semaphore, #tpu.memory_space<semaphore_mem>>) src(%arg14 : memref<16x2048xf32, #tpu.memory_space<vmem>>) dst(%dma_wait3A_210 : memref<16x2048xf32, #tpu.memory_space<hbm>>)
    %get3A_211 = arith.constant 176 : index
    %get3A_212 = tpu.vector_load %arg11[%get3A_211] {strides = array<i32>} : memref<256xi32, #tpu.memory_space<vmem>>, vector<16xi32>,
    %dma_start3A_213 = arith.constant 0 : i32
    %dma_start3A_214 = arith.constant 0 : i32
    %dma_start3A_215 = tpu.memref_slice %arg2[%dma_start3A_213, %dma_start3A_214] : memref<16384x2048xf32, #tpu.memory_space<hbm>> -> memref<16384x2048xf32, #tpu.memory_space<hbm>>
    tpu.enqueue_indirect_dma source(%dma_start3A_215 : memref<16384x2048xf32, #tpu.memory_space<hbm>>) target(%arg14 : memref<16x2048xf32, #tpu.memory_space<vmem>>) offsets(%get3A_212 : vector<16xi32>) semaphore(%arg17 : memref<!tpu.dma_semaphore, #tpu.memory_space<semaphore_mem>>)
    %dma_wait3A_216 = arith.constant 0 : i32
    %dma_wait3A_217 = arith.constant 0 : i32
    %dma_wait3A_218 = tpu.memref_slice %arg2[%dma_wait3A_216, %dma_wait3A_217] : memref<16384x2048xf32, #tpu.memory_space<hbm>> -> memref<16384x2048xf32, #tpu.memory_space<hbm>>
    tpu.wait_indirect_dma semaphore(%arg15 : memref<!tpu.dma_semaphore, #tpu.memory_space<semaphore_mem>>) src(%dma_wait3A_218 : memref<16384x2048xf32, #tpu.memory_space<hbm>>) dst(%arg12 : memref<16x2048xf32, #tpu.memory_space<vmem>>)
    %add3A_219 = arith.constant 144 : i32
    %add3A_220 = arith.addi %add3A_41, %add3A_219 : i32
    %dma_start3A_221 = arith.constant 0 : i32
    %dma_start3A_222 = tpu.memref_slice %arg5[%add3A_220, %dma_start3A_221] : memref<8192x2048xf32, #tpu.memory_space<hbm>> -> memref<16x2048xf32, #tpu.memory_space<hbm>>
    %dma_start3A_223 = arith.constant 0 : i32
    %dma_start3A_224 = tpu.memref_slice %arg5[%add3A_220, %dma_start3A_223] : memref<8192x2048xf32, #tpu.memory_space<hbm>> -> memref<16x2048xf32, #tpu.memory_space<hbm>>
    tpu.enqueue_dma source(%arg12 : memref<16x2048xf32, #tpu.memory_space<vmem>>) target(%dma_start3A_224 : memref<16x2048xf32, #tpu.memory_space<hbm>>) target_semaphore(%arg18 : memref<!tpu.dma_semaphore, #tpu.memory_space<semaphore_mem>>)
    %dma_wait3A_225 = arith.constant 0 : i32
    %dma_wait3A_226 = tpu.memref_slice %arg5[%add3A_220, %dma_wait3A_225] : memref<8192x2048xf32, #tpu.memory_space<hbm>> -> memref<16x2048xf32, #tpu.memory_space<hbm>>
    %dma_wait3A_227 = arith.constant 0 : i32
    %dma_wait3A_228 = tpu.memref_slice %arg5[%add3A_220, %dma_wait3A_227] : memref<8192x2048xf32, #tpu.memory_space<hbm>> -> memref<16x2048xf32, #tpu.memory_space<hbm>>
    tpu.wait_dma2 semaphore(%arg18 : memref<!tpu.dma_semaphore, #tpu.memory_space<semaphore_mem>>) src(%arg12 : memref<16x2048xf32, #tpu.memory_space<vmem>>) dst(%dma_wait3A_228 : memref<16x2048xf32, #tpu.memory_space<hbm>>)
    %get3A_229 = arith.constant 192 : index
    %get3A_230 = tpu.vector_load %arg11[%get3A_229] {strides = array<i32>} : memref<256xi32, #tpu.memory_space<vmem>>, vector<16xi32>,
    %dma_start3A_231 = arith.constant 0 : i32
    %dma_start3A_232 = arith.constant 0 : i32
    %dma_start3A_233 = tpu.memref_slice %arg2[%dma_start3A_231, %dma_start3A_232] : memref<16384x2048xf32, #tpu.memory_space<hbm>> -> memref<16384x2048xf32, #tpu.memory_space<hbm>>
    tpu.enqueue_indirect_dma source(%dma_start3A_233 : memref<16384x2048xf32, #tpu.memory_space<hbm>>) target(%arg12 : memref<16x2048xf32, #tpu.memory_space<vmem>>) offsets(%get3A_230 : vector<16xi32>) semaphore(%arg15 : memref<!tpu.dma_semaphore, #tpu.memory_space<semaphore_mem>>)
    %dma_wait3A_234 = arith.constant 0 : i32
    %dma_wait3A_235 = arith.constant 0 : i32
    %dma_wait3A_236 = tpu.memref_slice %arg2[%dma_wait3A_234, %dma_wait3A_235] : memref<16384x2048xf32, #tpu.memory_space<hbm>> -> memref<16384x2048xf32, #tpu.memory_space<hbm>>
    tpu.wait_indirect_dma semaphore(%arg16 : memref<!tpu.dma_semaphore, #tpu.memory_space<semaphore_mem>>) src(%dma_wait3A_236 : memref<16384x2048xf32, #tpu.memory_space<hbm>>) dst(%arg13 : memref<16x2048xf32, #tpu.memory_space<vmem>>)
    %add3A_237 = arith.constant 160 : i32
    %add3A_238 = arith.addi %add3A_41, %add3A_237 : i32
    %dma_start3A_239 = arith.constant 0 : i32
    %dma_start3A_240 = tpu.memref_slice %arg5[%add3A_238, %dma_start3A_239] : memref<8192x2048xf32, #tpu.memory_space<hbm>> -> memref<16x2048xf32, #tpu.memory_space<hbm>>
    %dma_start3A_241 = arith.constant 0 : i32
    %dma_start3A_242 = tpu.memref_slice %arg5[%add3A_238, %dma_start3A_241] : memref<8192x2048xf32, #tpu.memory_space<hbm>> -> memref<16x2048xf32, #tpu.memory_space<hbm>>
    tpu.enqueue_dma source(%arg13 : memref<16x2048xf32, #tpu.memory_space<vmem>>) target(%dma_start3A_242 : memref<16x2048xf32, #tpu.memory_space<hbm>>) target_semaphore(%arg19 : memref<!tpu.dma_semaphore, #tpu.memory_space<semaphore_mem>>)
    %dma_wait3A_243 = arith.constant 0 : i32
    %dma_wait3A_244 = tpu.memref_slice %arg5[%add3A_238, %dma_wait3A_243] : memref<8192x2048xf32, #tpu.memory_space<hbm>> -> memref<16x2048xf32, #tpu.memory_space<hbm>>
    %dma_wait3A_245 = arith.constant 0 : i32
    %dma_wait3A_246 = tpu.memref_slice %arg5[%add3A_238, %dma_wait3A_245] : memref<8192x2048xf32, #tpu.memory_space<hbm>> -> memref<16x2048xf32, #tpu.memory_space<hbm>>
    tpu.wait_dma2 semaphore(%arg19 : memref<!tpu.dma_semaphore, #tpu.memory_space<semaphore_mem>>) src(%arg13 : memref<16x2048xf32, #tpu.memory_space<vmem>>) dst(%dma_wait3A_246 : memref<16x2048xf32, #tpu.memory_space<hbm>>)
    %get3A_247 = arith.constant 208 : index
    %get3A_248 = tpu.vector_load %arg11[%get3A_247] {strides = array<i32>} : memref<256xi32, #tpu.memory_space<vmem>>, vector<16xi32>,
    %dma_start3A_249 = arith.constant 0 : i32
    %dma_start3A_250 = arith.constant 0 : i32
    %dma_start3A_251 = tpu.memref_slice %arg2[%dma_start3A_249, %dma_start3A_250] : memref<16384x2048xf32, #tpu.memory_space<hbm>> -> memref<16384x2048xf32, #tpu.memory_space<hbm>>
    tpu.enqueue_indirect_dma source(%dma_start3A_251 : memref<16384x2048xf32, #tpu.memory_space<hbm>>) target(%arg13 : memref<16x2048xf32, #tpu.memory_space<vmem>>) offsets(%get3A_248 : vector<16xi32>) semaphore(%arg16 : memref<!tpu.dma_semaphore, #tpu.memory_space<semaphore_mem>>)
    %dma_wait3A_252 = arith.constant 0 : i32
    %dma_wait3A_253 = arith.constant 0 : i32
    %dma_wait3A_254 = tpu.memref_slice %arg2[%dma_wait3A_252, %dma_wait3A_253] : memref<16384x2048xf32, #tpu.memory_space<hbm>> -> memref<16384x2048xf32, #tpu.memory_space<hbm>>
    tpu.wait_indirect_dma semaphore(%arg17 : memref<!tpu.dma_semaphore, #tpu.memory_space<semaphore_mem>>) src(%dma_wait3A_254 : memref<16384x2048xf32, #tpu.memory_space<hbm>>) dst(%arg14 : memref<16x2048xf32, #tpu.memory_space<vmem>>)
    %add3A_255 = arith.constant 176 : i32
    %add3A_256 = arith.addi %add3A_41, %add3A_255 : i32
    %dma_start3A_257 = arith.constant 0 : i32
    %dma_start3A_258 = tpu.memref_slice %arg5[%add3A_256, %dma_start3A_257] : memref<8192x2048xf32, #tpu.memory_space<hbm>> -> memref<16x2048xf32, #tpu.memory_space<hbm>>
    %dma_start3A_259 = arith.constant 0 : i32
    %dma_start3A_260 = tpu.memref_slice %arg5[%add3A_256, %dma_start3A_259] : memref<8192x2048xf32, #tpu.memory_space<hbm>> -> memref<16x2048xf32, #tpu.memory_space<hbm>>
    tpu.enqueue_dma source(%arg14 : memref<16x2048xf32, #tpu.memory_space<vmem>>) target(%dma_start3A_260 : memref<16x2048xf32, #tpu.memory_space<hbm>>) target_semaphore(%arg20 : memref<!tpu.dma_semaphore, #tpu.memory_space<semaphore_mem>>)
    %dma_wait3A_261 = arith.constant 0 : i32
    %dma_wait3A_262 = tpu.memref_slice %arg5[%add3A_256, %dma_wait3A_261] : memref<8192x2048xf32, #tpu.memory_space<hbm>> -> memref<16x2048xf32, #tpu.memory_space<hbm>>
    %dma_wait3A_263 = arith.constant 0 : i32
    %dma_wait3A_264 = tpu.memref_slice %arg5[%add3A_256, %dma_wait3A_263] : memref<8192x2048xf32, #tpu.memory_space<hbm>> -> memref<16x2048xf32, #tpu.memory_space<hbm>>
    tpu.wait_dma2 semaphore(%arg20 : memref<!tpu.dma_semaphore, #tpu.memory_space<semaphore_mem>>) src(%arg14 : memref<16x2048xf32, #tpu.memory_space<vmem>>) dst(%dma_wait3A_264 : memref<16x2048xf32, #tpu.memory_space<hbm>>)
    %get3A_265 = arith.constant 224 : index
    %get3A_266 = tpu.vector_load %arg11[%get3A_265] {strides = array<i32>} : memref<256xi32, #tpu.memory_space<vmem>>, vector<16xi32>,
    %dma_start3A_267 = arith.constant 0 : i32
    %dma_start3A_268 = arith.constant 0 : i32
    %dma_start3A_269 = tpu.memref_slice %arg2[%dma_start3A_267, %dma_start3A_268] : memref<16384x2048xf32, #tpu.memory_space<hbm>> -> memref<16384x2048xf32, #tpu.memory_space<hbm>>
    tpu.enqueue_indirect_dma source(%dma_start3A_269 : memref<16384x2048xf32, #tpu.memory_space<hbm>>) target(%arg14 : memref<16x2048xf32, #tpu.memory_space<vmem>>) offsets(%get3A_266 : vector<16xi32>) semaphore(%arg17 : memref<!tpu.dma_semaphore, #tpu.memory_space<semaphore_mem>>)
    %dma_wait3A_270 = arith.constant 0 : i32
    %dma_wait3A_271 = arith.constant 0 : i32
    %dma_wait3A_272 = tpu.memref_slice %arg2[%dma_wait3A_270, %dma_wait3A_271] : memref<16384x2048xf32, #tpu.memory_space<hbm>> -> memref<16384x2048xf32, #tpu.memory_space<hbm>>
    tpu.wait_indirect_dma semaphore(%arg15 : memref<!tpu.dma_semaphore, #tpu.memory_space<semaphore_mem>>) src(%dma_wait3A_272 : memref<16384x2048xf32, #tpu.memory_space<hbm>>) dst(%arg12 : memref<16x2048xf32, #tpu.memory_space<vmem>>)
    %add3A_273 = arith.constant 192 : i32
    %add3A_274 = arith.addi %add3A_41, %add3A_273 : i32
    %dma_start3A_275 = arith.constant 0 : i32
    %dma_start3A_276 = tpu.memref_slice %arg5[%add3A_274, %dma_start3A_275] : memref<8192x2048xf32, #tpu.memory_space<hbm>> -> memref<16x2048xf32, #tpu.memory_space<hbm>>
    %dma_start3A_277 = arith.constant 0 : i32
    %dma_start3A_278 = tpu.memref_slice %arg5[%add3A_274, %dma_start3A_277] : memref<8192x2048xf32, #tpu.memory_space<hbm>> -> memref<16x2048xf32, #tpu.memory_space<hbm>>
    tpu.enqueue_dma source(%arg12 : memref<16x2048xf32, #tpu.memory_space<vmem>>) target(%dma_start3A_278 : memref<16x2048xf32, #tpu.memory_space<hbm>>) target_semaphore(%arg18 : memref<!tpu.dma_semaphore, #tpu.memory_space<semaphore_mem>>)
    %dma_wait3A_279 = arith.constant 0 : i32
    %dma_wait3A_280 = tpu.memref_slice %arg5[%add3A_274, %dma_wait3A_279] : memref<8192x2048xf32, #tpu.memory_space<hbm>> -> memref<16x2048xf32, #tpu.memory_space<hbm>>
    %dma_wait3A_281 = arith.constant 0 : i32
    %dma_wait3A_282 = tpu.memref_slice %arg5[%add3A_274, %dma_wait3A_281] : memref<8192x2048xf32, #tpu.memory_space<hbm>> -> memref<16x2048xf32, #tpu.memory_space<hbm>>
    tpu.wait_dma2 semaphore(%arg18 : memref<!tpu.dma_semaphore, #tpu.memory_space<semaphore_mem>>) src(%arg12 : memref<16x2048xf32, #tpu.memory_space<vmem>>) dst(%dma_wait3A_282 : memref<16x2048xf32, #tpu.memory_space<hbm>>)
    %get3A_283 = arith.constant 240 : index
    %get3A_284 = tpu.vector_load %arg11[%get3A_283] {strides = array<i32>} : memref<256xi32, #tpu.memory_space<vmem>>, vector<16xi32>,
    %dma_start3A_285 = arith.constant 0 : i32
    %dma_start3A_286 = arith.constant 0 : i32
    %dma_start3A_287 = tpu.memref_slice %arg2[%dma_start3A_285, %dma_start3A_286] : memref<16384x2048xf32, #tpu.memory_space<hbm>> -> memref<16384x2048xf32, #tpu.memory_space<hbm>>
    tpu.enqueue_indirect_dma source(%dma_start3A_287 : memref<16384x2048xf32, #tpu.memory_space<hbm>>) target(%arg12 : memref<16x2048xf32, #tpu.memory_space<vmem>>) offsets(%get3A_284 : vector<16xi32>) semaphore(%arg15 : memref<!tpu.dma_semaphore, #tpu.memory_space<semaphore_mem>>)
    %dma_wait3A_288 = arith.constant 0 : i32
    %dma_wait3A_289 = arith.constant 0 : i32
    %dma_wait3A_290 = tpu.memref_slice %arg2[%dma_wait3A_288, %dma_wait3A_289] : memref<16384x2048xf32, #tpu.memory_space<hbm>> -> memref<16384x2048xf32, #tpu.memory_space<hbm>>
    tpu.wait_indirect_dma semaphore(%arg16 : memref<!tpu.dma_semaphore, #tpu.memory_space<semaphore_mem>>) src(%dma_wait3A_290 : memref<16384x2048xf32, #tpu.memory_space<hbm>>) dst(%arg13 : memref<16x2048xf32, #tpu.memory_space<vmem>>)
    %add3A_291 = arith.constant 208 : i32
    %add3A_292 = arith.addi %add3A_41, %add3A_291 : i32
    %dma_start3A_293 = arith.constant 0 : i32
    %dma_start3A_294 = tpu.memref_slice %arg5[%add3A_292, %dma_start3A_293] : memref<8192x2048xf32, #tpu.memory_space<hbm>> -> memref<16x2048xf32, #tpu.memory_space<hbm>>
    %dma_start3A_295 = arith.constant 0 : i32
    %dma_start3A_296 = tpu.memref_slice %arg5[%add3A_292, %dma_start3A_295] : memref<8192x2048xf32, #tpu.memory_space<hbm>> -> memref<16x2048xf32, #tpu.memory_space<hbm>>
    tpu.enqueue_dma source(%arg13 : memref<16x2048xf32, #tpu.memory_space<vmem>>) target(%dma_start3A_296 : memref<16x2048xf32, #tpu.memory_space<hbm>>) target_semaphore(%arg19 : memref<!tpu.dma_semaphore, #tpu.memory_space<semaphore_mem>>)
    %dma_wait3A_297 = arith.constant 0 : i32
    %dma_wait3A_298 = arith.constant 0 : i32
    %dma_wait3A_299 = tpu.memref_slice %arg2[%dma_wait3A_297, %dma_wait3A_298] : memref<16384x2048xf32, #tpu.memory_space<hbm>> -> memref<16384x2048xf32, #tpu.memory_space<hbm>>
    tpu.wait_indirect_dma semaphore(%arg17 : memref<!tpu.dma_semaphore, #tpu.memory_space<semaphore_mem>>) src(%dma_wait3A_299 : memref<16384x2048xf32, #tpu.memory_space<hbm>>) dst(%arg14 : memref<16x2048xf32, #tpu.memory_space<vmem>>)
    %add3A_300 = arith.constant 224 : i32
    %add3A_301 = arith.addi %add3A_41, %add3A_300 : i32
    %dma_start3A_302 = arith.constant 0 : i32
    %dma_start3A_303 = tpu.memref_slice %arg5[%add3A_301, %dma_start3A_302] : memref<8192x2048xf32, #tpu.memory_space<hbm>> -> memref<16x2048xf32, #tpu.memory_space<hbm>>
    %dma_start3A_304 = arith.constant 0 : i32
    %dma_start3A_305 = tpu.memref_slice %arg5[%add3A_301, %dma_start3A_304] : memref<8192x2048xf32, #tpu.memory_space<hbm>> -> memref<16x2048xf32, #tpu.memory_space<hbm>>
    tpu.enqueue_dma source(%arg14 : memref<16x2048xf32, #tpu.memory_space<vmem>>) target(%dma_start3A_305 : memref<16x2048xf32, #tpu.memory_space<hbm>>) target_semaphore(%arg20 : memref<!tpu.dma_semaphore, #tpu.memory_space<semaphore_mem>>)
    %dma_wait3A_306 = arith.constant 0 : i32
    %dma_wait3A_307 = arith.constant 0 : i32
    %dma_wait3A_308 = tpu.memref_slice %arg2[%dma_wait3A_306, %dma_wait3A_307] : memref<16384x2048xf32, #tpu.memory_space<hbm>> -> memref<16384x2048xf32, #tpu.memory_space<hbm>>
    tpu.wait_indirect_dma semaphore(%arg15 : memref<!tpu.dma_semaphore, #tpu.memory_space<semaphore_mem>>) src(%dma_wait3A_308 : memref<16384x2048xf32, #tpu.memory_space<hbm>>) dst(%arg12 : memref<16x2048xf32, #tpu.memory_space<vmem>>)
    %add3A_309 = arith.constant 240 : i32
    %add3A_310 = arith.addi %add3A_41, %add3A_309 : i32
    %dma_start3A_311 = arith.constant 0 : i32
    %dma_start3A_312 = tpu.memref_slice %arg5[%add3A_310, %dma_start3A_311] : memref<8192x2048xf32, #tpu.memory_space<hbm>> -> memref<16x2048xf32, #tpu.memory_space<hbm>>
    %dma_start3A_313 = arith.constant 0 : i32
    %dma_start3A_314 = tpu.memref_slice %arg5[%add3A_310, %dma_start3A_313] : memref<8192x2048xf32, #tpu.memory_space<hbm>> -> memref<16x2048xf32, #tpu.memory_space<hbm>>
    tpu.enqueue_dma source(%arg12 : memref<16x2048xf32, #tpu.memory_space<vmem>>) target(%dma_start3A_314 : memref<16x2048xf32, #tpu.memory_space<hbm>>) target_semaphore(%arg18 : memref<!tpu.dma_semaphore, #tpu.memory_space<semaphore_mem>>)
    %dma_wait3A_315 = arith.constant 0 : i32
    %dma_wait3A_316 = tpu.memref_slice %arg5[%add3A_310, %dma_wait3A_315] : memref<8192x2048xf32, #tpu.memory_space<hbm>> -> memref<16x2048xf32, #tpu.memory_space<hbm>>
    %dma_wait3A_317 = arith.constant 0 : i32
    %dma_wait3A_318 = tpu.memref_slice %arg5[%add3A_310, %dma_wait3A_317] : memref<8192x2048xf32, #tpu.memory_space<hbm>> -> memref<16x2048xf32, #tpu.memory_space<hbm>>
    tpu.wait_dma2 semaphore(%arg18 : memref<!tpu.dma_semaphore, #tpu.memory_space<semaphore_mem>>) src(%arg12 : memref<16x2048xf32, #tpu.memory_space<vmem>>) dst(%dma_wait3A_318 : memref<16x2048xf32, #tpu.memory_space<hbm>>)
    %dma_wait3A_319 = arith.constant 0 : i32
    %dma_wait3A_320 = tpu.memref_slice %arg5[%add3A_292, %dma_wait3A_319] : memref<8192x2048xf32, #tpu.memory_space<hbm>> -> memref<16x2048xf32, #tpu.memory_space<hbm>>
    %dma_wait3A_321 = arith.constant 0 : i32
    %dma_wait3A_322 = tpu.memref_slice %arg5[%add3A_292, %dma_wait3A_321] : memref<8192x2048xf32, #tpu.memory_space<hbm>> -> memref<16x2048xf32, #tpu.memory_space<hbm>>
    tpu.wait_dma2 semaphore(%arg19 : memref<!tpu.dma_semaphore, #tpu.memory_space<semaphore_mem>>) src(%arg13 : memref<16x2048xf32, #tpu.memory_space<vmem>>) dst(%dma_wait3A_322 : memref<16x2048xf32, #tpu.memory_space<hbm>>)
    %dma_wait3A_323 = arith.constant 0 : i32
    %dma_wait3A_324 = tpu.memref_slice %arg5[%add3A_301, %dma_wait3A_323] : memref<8192x2048xf32, #tpu.memory_space<hbm>> -> memref<16x2048xf32, #tpu.memory_space<hbm>>
    %dma_wait3A_325 = arith.constant 0 : i32
    %dma_wait3A_326 = tpu.memref_slice %arg5[%add3A_301, %dma_wait3A_325] : memref<8192x2048xf32, #tpu.memory_space<hbm>> -> memref<16x2048xf32, #tpu.memory_space<hbm>>
    tpu.wait_dma2 semaphore(%arg20 : memref<!tpu.dma_semaphore, #tpu.memory_space<semaphore_mem>>) src(%arg14 : memref<16x2048xf32, #tpu.memory_space<vmem>>) dst(%dma_wait3A_326 : memref<16x2048xf32, #tpu.memory_space<hbm>>)
    return
  }
}

module attributes {stable_mosaic.version = 14 : i64} {
  func.func @_scores_thr_body(%arg0: i32, %arg1: memref<1024x2048xf32, #tpu.memory_space<vmem>>, %arg2: memref<1x2048xf32, #tpu.memory_space<vmem>>, %arg3: memref<1xf32, #tpu.memory_space<smem>>, %arg4: memref<1x1x1024xf32, #tpu.memory_space<vmem>>, %arg5: memref<1x1x1024xi32, #tpu.memory_space<vmem>>, %arg6: memref<8x128xi32, #tpu.memory_space<vmem>>, %arg7: memref<4x4096xf32, #tpu.memory_space<vmem>>) attributes {dimension_semantics = [#tpu.dimension_semantics<arbitrary>], iteration_bounds = array<i64: 16>, scalar_prefetch = 0 : i64, scratch_operands = 1 : i64, tpu.core_type = #tpu.core_type<tc>, window_params = [{transform_indices = @transform_0, window_bounds = array<i64: 1024, 2048>}, {pipeline_mode = #tpu.pipeline_mode<synchronous>, transform_indices = @transform_1, window_bounds = array<i64: 1, 2048>}, {transform_indices = @transform_2, window_bounds = array<i64: 1>}, {transform_indices = @transform_3, window_bounds = array<i64: 1, 1, 1024>}, {transform_indices = @transform_4, window_bounds = array<i64: 1, 1, 1024>}, {pipeline_mode = #tpu.pipeline_mode<synchronous>, transform_indices = @transform_5, window_bounds = array<i64: 8, 128>}]} {
    %get3A = arith.constant 0 : index
    %get3A_0 = arith.constant 0 : index
    %get3A_1 = vector.load %arg1[%get3A, %get3A_0] : memref<1024x2048xf32, #tpu.memory_space<vmem>>, vector<1024x2048xf32>
    %convert_element_type3A = arith.truncf %get3A_1 : vector<1024x2048xf32> to vector<1024x2048xbf16>
    %get3A_2 = arith.constant 0 : index
    %get3A_3 = arith.constant 0 : index
    %get3A_4 = vector.load %arg2[%get3A_2, %get3A_3] : memref<1x2048xf32, #tpu.memory_space<vmem>>, vector<1x2048xf32>
    %convert_element_type3A_5 = arith.truncf %get3A_4 : vector<1x2048xf32> to vector<1x2048xbf16>
    %dot_general3A = arith.constant dense<0.000000e+00> : vector<1x1024xf32>
    %dot_general3A_6 = tpu.matmul %convert_element_type3A_5, %convert_element_type3A, %dot_general3A {dimension_numbers = #tpu.dot_dimension_numbers<[1], [1], [0], [0], [0, 0, 1, 0], [], []>, transpose_lhs_hint = false} : vector<1x2048xbf16>, vector<1024x2048xbf16>, vector<1x1024xf32> -> vector<1x1024xf32>
    %get3A_7 = arith.constant 0 : index
    %get3A_8 = memref.load %arg3[%get3A_7] : memref<1xf32, #tpu.memory_space<smem>>
    %add3A = vector.broadcast %get3A_8 : f32 to vector<1x1024xf32>
    %add3A_9 = arith.addf %dot_general3A_6, %add3A : vector<1x1024xf32>
    %broadcast_in_dim3A = vector.shape_cast %add3A_9 : vector<1x1024xf32> to vector<1x1x1024xf32>
    %swap3A = arith.constant 0 : index
    %swap3A_10 = arith.constant 0 : index
    %swap3A_11 = arith.constant 0 : index
    %swap3A_12 = vector.load %arg4[%swap3A, %swap3A_10, %swap3A_11] : memref<1x1x1024xf32, #tpu.memory_space<vmem>>, vector<1x1x1024xf32>
    tpu.vector_store %arg4[%swap3A, %swap3A_10, %swap3A_11], %broadcast_in_dim3A {strides = array<i32>} : memref<1x1x1024xf32, #tpu.memory_space<vmem>>, vector<1x1x1024xf32>,
    %bitcast_convert_type3A = tpu.bitcast %add3A_9 : vector<1x1024xf32> -> vector<1x1024xi32>
    %ge3A = arith.constant 0 : i32
    %ge3A_13 = vector.broadcast %ge3A : i32 to vector<1x1024xi32>
    %ge3A_14 = arith.cmpi sge, %bitcast_convert_type3A, %ge3A_13 : vector<1x1024xi32>
    %xor3A = arith.constant 2147483647 : i32
    %xor3A_15 = vector.broadcast %xor3A : i32 to vector<1x1024xi32>
    %xor3A_16 = arith.xori %bitcast_convert_type3A, %xor3A_15 : vector<1x1024xi32>
    %select_n3A = arith.select %ge3A_14, %bitcast_convert_type3A, %xor3A_16 : vector<1x1024xi1>, vector<1x1024xi32>
    %broadcast_in_dim3A_17 = vector.shape_cast %select_n3A : vector<1x1024xi32> to vector<1x1x1024xi32>
    %swap3A_18 = arith.constant 0 : index
    %swap3A_19 = arith.constant 0 : index
    %swap3A_20 = arith.constant 0 : index
    %swap3A_21 = vector.load %arg5[%swap3A_18, %swap3A_19, %swap3A_20] : memref<1x1x1024xi32, #tpu.memory_space<vmem>>, vector<1x1x1024xi32>
    tpu.vector_store %arg5[%swap3A_18, %swap3A_19, %swap3A_20], %broadcast_in_dim3A_17 {strides = array<i32>} : memref<1x1x1024xi32, #tpu.memory_space<vmem>>, vector<1x1x1024xi32>,
    %jit3A = arith.constant 4 : i32
    %div3A = arith.divsi %arg0, %jit3A : i32
    %sign3A = arith.constant 0 : i32
    %sign3A_22 = arith.cmpi sgt, %arg0, %sign3A : i32
    %sign3A_23 = arith.extui %sign3A_22 : i1 to i32
    %sign3A_24 = arith.constant 0 : i32
    %sign3A_25 = arith.cmpi slt, %arg0, %sign3A_24 : i32
    %sign3A_26 = arith.extui %sign3A_25 : i1 to i32
    %sign3A_27 = arith.subi %sign3A_23, %sign3A_26 : i32
    %sign3A_28 = arith.constant 0 : i32
    %sign3A_29 = arith.cmpi sgt, %jit3A, %sign3A_28 : i32
    %sign3A_30 = arith.extui %sign3A_29 : i1 to i32
    %sign3A_31 = arith.constant 0 : i32
    %sign3A_32 = arith.cmpi slt, %jit3A, %sign3A_31 : i32
    %sign3A_33 = arith.extui %sign3A_32 : i1 to i32
    %sign3A_34 = arith.subi %sign3A_30, %sign3A_33 : i32
    %ne3A = arith.cmpi ne, %sign3A_27, %sign3A_34 : i32
    %rem3A = arith.remsi %arg0, %jit3A : i32
    %ne3A_35 = arith.constant 0 : i32
    %ne3A_36 = arith.cmpi ne, %rem3A, %ne3A_35 : i32
    %and3A = arith.andi %ne3A, %ne3A_36 : i1
    %sub3A = arith.constant 1 : i32
    %sub3A_37 = arith.subi %div3A, %sub3A : i32
    %select_n3A_38 = arith.select %and3A, %sub3A_37, %div3A : i32
    %jit3A_39 = arith.constant 4 : i32
    %eq3A = arith.constant 0 : i32
    %eq3A_40 = arith.cmpi eq, %jit3A_39, %eq3A : i32
    %jit3A_41 = arith.constant 1 : i32
    %select_n3A_42 = arith.select %eq3A_40, %jit3A_41, %jit3A_39 : i32
    %rem3A_43 = arith.remsi %arg0, %select_n3A_42 : i32
    %ne3A_44 = arith.constant 0 : i32
    %ne3A_45 = arith.cmpi ne, %rem3A_43, %ne3A_44 : i32
    %lt3A = arith.constant 0 : i32
    %lt3A_46 = arith.cmpi slt, %rem3A_43, %lt3A : i32
    %lt3A_47 = arith.constant 0 : i32
    %lt3A_48 = arith.cmpi slt, %select_n3A_42, %lt3A_47 : i32
    %ne3A_49 = arith.xori %lt3A_46, %lt3A_48 : i1
    %and3A_50 = arith.andi %ne3A_49, %ne3A_45 : i1
    %add3A_51 = arith.addi %rem3A_43, %select_n3A_42 : i32
    %select_n3A_52 = arith.select %and3A_50, %add3A_51, %rem3A_43 : i32
    %mul3A = arith.constant 1024 : i32
    %mul3A_53 = arith.muli %select_n3A_52, %mul3A : i32
    %swap3A_54 = arith.index_cast %select_n3A_38 : i32 to index
    %swap3A_55 = arith.index_cast %mul3A_53 : i32 to index
    %swap3A_56 = vector.load %arg7[%swap3A_54, %swap3A_55] : memref<4x4096xf32, #tpu.memory_space<vmem>>, vector<1x1024xf32>
    tpu.vector_store %arg7[%swap3A_54, %swap3A_55], %add3A_9 {strides = array<i32>} : memref<4x4096xf32, #tpu.memory_space<vmem>>, vector<1x1024xf32>,
    %eq3A_57 = arith.constant 15 : i32
    %eq3A_58 = arith.cmpi eq, %arg0, %eq3A_57 : i32
    %convert_element_type3A_59 = arith.extui %eq3A_58 : i1 to i32
    %cond3A = arith.constant 0 : i32
    %cond3A_60 = arith.cmpi ne, %convert_element_type3A_59, %cond3A : i32
    scf.if %cond3A_60 {
      %get3A_61 = arith.constant 0 : index
      %get3A_62 = arith.constant 0 : index
      %get3A_63 = vector.load %arg7[%get3A_61, %get3A_62] : memref<4x4096xf32, #tpu.memory_space<vmem>>, vector<4x4096xf32>
      %bitcast_convert_type3A_64 = tpu.bitcast %get3A_63 : vector<4x4096xf32> -> vector<4x4096xi32>
      %ge3A_65 = arith.constant 0 : i32
      %ge3A_66 = vector.broadcast %ge3A_65 : i32 to vector<4x4096xi32>
      %ge3A_67 = arith.cmpi sge, %bitcast_convert_type3A_64, %ge3A_66 : vector<4x4096xi32>
      %xor3A_68 = arith.constant 2147483647 : i32
      %xor3A_69 = vector.broadcast %xor3A_68 : i32 to vector<4x4096xi32>
      %xor3A_70 = arith.xori %bitcast_convert_type3A_64, %xor3A_69 : vector<4x4096xi32>
      %select_n3A_71 = arith.select %ge3A_67, %bitcast_convert_type3A_64, %xor3A_70 : vector<4x4096xi1>, vector<4x4096xi32>
      %broadcast_in_dim3A_72 = arith.constant 0 : i32
      %broadcast_in_dim3A_73 = vector.broadcast %broadcast_in_dim3A_72 : i32 to vector<4x1xi32>
      %scan3A = arith.constant 0 : i32
      %scan3A_74 = arith.constant 32 : i32
      %scan3A_75 = arith.addi %scan3A, %scan3A_74 : i32
      %scan3A_76 = arith.constant 1 : i32
      %scan3A_77 = scf.for %scan3A_96 = %scan3A to %scan3A_75 step %scan3A_76 iter_args(%scan3A_97 = %broadcast_in_dim3A_73) -> (vector<4x1xi32>)  : i32 {
        %sub3A_98 = arith.constant 31 : i32
        %sub3A_99 = arith.subi %sub3A_98, %scan3A_96 : i32
        %shift_left3A = arith.constant 1 : i32
        %shift_left3A_100 = arith.shli %shift_left3A, %sub3A_99 : i32
        %or3A = vector.broadcast %shift_left3A_100 : i32 to vector<4x1xi32>
        %or3A_101 = arith.ori %scan3A_97, %or3A : vector<4x1xi32>
        %xor3A_102 = arith.constant -2147483648 : i32
        %xor3A_103 = vector.broadcast %xor3A_102 : i32 to vector<4x1xi32>
        %xor3A_104 = arith.xori %or3A_101, %xor3A_103 : vector<4x1xi32>
        %ge3A_105 = vector.broadcast %xor3A_104 : vector<4x1xi32> to vector<4x4096xi32>
        %ge3A_106 = arith.cmpi sge, %select_n3A_71, %ge3A_105 : vector<4x4096xi32>
        %convert_element_type3A_107 = arith.extui %ge3A_106 : vector<4x4096xi1> to vector<4x4096xi32>
        %reduce_sum3A_108 = arith.constant dense<0> : vector<4xi32>
        %reduce_sum3A_109 = vector.multi_reduction <add>, %convert_element_type3A_107, %reduce_sum3A_108 [1] : vector<4x4096xi32> to vector<4xi32>
        %broadcast_in_dim3A_110 = vector.shape_cast %reduce_sum3A_109 : vector<4xi32> to vector<4x1xi32>
        %ge3A_111 = arith.constant 2048 : i32
        %ge3A_112 = vector.broadcast %ge3A_111 : i32 to vector<4x1xi32>
        %ge3A_113 = arith.cmpi sge, %broadcast_in_dim3A_110, %ge3A_112 : vector<4x1xi32>
        %select_n3A_114 = arith.select %ge3A_113, %or3A_101, %scan3A_97 : vector<4x1xi1>, vector<4x1xi32>
        scf.yield %select_n3A_114 : vector<4x1xi32>
      }
      %scan3A_78 = arith.constant 32 : i32
      %xor3A_79 = arith.constant -2147483648 : i32
      %xor3A_80 = vector.broadcast %xor3A_79 : i32 to vector<4x1xi32>
      %xor3A_81 = arith.xori %scan3A_77, %xor3A_80 : vector<4x1xi32>
      %gt3A = vector.broadcast %xor3A_81 : vector<4x1xi32> to vector<4x4096xi32>
      %gt3A_82 = arith.cmpi sgt, %select_n3A_71, %gt3A : vector<4x4096xi32>
      %convert_element_type3A_83 = arith.extui %gt3A_82 : vector<4x4096xi1> to vector<4x4096xi32>
      %reduce_sum3A = arith.constant dense<0> : vector<4xi32>
      %reduce_sum3A_84 = vector.multi_reduction <add>, %convert_element_type3A_83, %reduce_sum3A [1] : vector<4x4096xi32> to vector<4xi32>
      %broadcast_in_dim3A_85 = vector.shape_cast %reduce_sum3A_84 : vector<4xi32> to vector<4x1xi32>
      %sub3A_86 = arith.constant 2048 : i32
      %sub3A_87 = vector.broadcast %sub3A_86 : i32 to vector<4x1xi32>
      %sub3A_88 = arith.subi %sub3A_87, %broadcast_in_dim3A_85 : vector<4x1xi32>
      %broadcast_in_dim3A_89 = vector.shape_cast %xor3A_81 : vector<4x1xi32> to vector<4x1xi32>
      %broadcast_in_dim3A_90 = vector.broadcast %broadcast_in_dim3A_89 : vector<4x1xi32> to vector<4x128xi32>
      %broadcast_in_dim3A_91 = vector.shape_cast %sub3A_88 : vector<4x1xi32> to vector<4x1xi32>
      %broadcast_in_dim3A_92 = vector.broadcast %broadcast_in_dim3A_91 : vector<4x1xi32> to vector<4x128xi32>
      %concatenate3A = tpu.concatenate %broadcast_in_dim3A_90, %broadcast_in_dim3A_92 in 0 : vector<4x128xi32>, vector<4x128xi32> -> vector<8x128xi32>
      %swap3A_93 = arith.constant 0 : index
      %swap3A_94 = arith.constant 0 : index
      %swap3A_95 = vector.load %arg6[%swap3A_93, %swap3A_94] : memref<8x128xi32, #tpu.memory_space<vmem>>, vector<8x128xi32>
      tpu.vector_store %arg6[%swap3A_93, %swap3A_94], %concatenate3A {strides = array<i32>} : memref<8x128xi32, #tpu.memory_space<vmem>>, vector<8x128xi32>,
    } else {
    }
    return
  }
  func.func @transform_0(%arg0: i32) -> (i32, i32) {
    %c0_i32 = arith.constant 0 : i32
    %c0_i32_0 = arith.constant 0 : i32
    return %arg0, %c0_i32 : i32, i32
  }
  func.func @transform_1(%arg0: i32) -> (i32, i32) {
    %c0_i32 = arith.constant 0 : i32
    %c0_i32_0 = arith.constant 0 : i32
    %c0_i32_1 = arith.constant 0 : i32
    return %c0_i32, %c0_i32_0 : i32, i32
  }
  func.func @transform_2(%arg0: i32) -> i32 {
    %c0_i32 = arith.constant 0 : i32
    %c0_i32_0 = arith.constant 0 : i32
    return %c0_i32 : i32
  }
  func.func @transform_3(%arg0: i32) -> (i32, i32, i32) {
    %c0_i32 = arith.constant 0 : i32
    %c0_i32_0 = arith.constant 0 : i32
    %c0_i32_1 = arith.constant 0 : i32
    return %arg0, %c0_i32, %c0_i32_0 : i32, i32, i32
  }
  func.func @transform_4(%arg0: i32) -> (i32, i32, i32) {
    %c0_i32 = arith.constant 0 : i32
    %c0_i32_0 = arith.constant 0 : i32
    %c0_i32_1 = arith.constant 0 : i32
    return %arg0, %c0_i32, %c0_i32_0 : i32, i32, i32
  }
  func.func @transform_5(%arg0: i32) -> (i32, i32) {
    %c0_i32 = arith.constant 0 : i32
    %c0_i32_0 = arith.constant 0 : i32
    %c0_i32_1 = arith.constant 0 : i32
    return %c0_i32, %c0_i32_0 : i32, i32
  }
}

</mosaic_0001>

<sc_bundles>
// kernel: kernel.4.cloned.1.call-start
scs
__scs_entry_jumppad:
0x0: {  	(pc) =	sbr.rel $0x88, $3  }
0x1: {  	(tag) =	ssettag $0x0;
	lr =	simm.s32 $0x1  }
0x2: {  	[smem:$0x3F9E] =	sst lr;
	_ =	strace $0xD0000000  }
0x3: {  	_ = 	snop  }
0x4: {  	_ = 	snop  }
0x5: {  	_ = 	snop  }
0x6: {  	_ = 	snop  }
0x7: {  	_ = 	snop  }
__scs_overlays_trampoline_lowered:
0x8: {  	[smem:$0x3FAD] =	sst s0  }
0x9: {  	[smem:$0x3FAE] =	sst s1  }
0xa: {  	[smem:$0x3FAF] =	sst s2  }
0xb: {  	[smem:$0x3FB0] =	sst s3  }
0xc: {  	[smem:$0x3FB1] =	sst s4  }
0xd: {  	[smem:$0x3FB2] =	sst s5  }
0xe: {  	[smem:$0x3FB3] =	sst s6  }
0xf: {  	[smem:$0x3FB4] =	sst s7  }
0x10: {  	[smem:$0x3FB5] =	sst s8  }
0x11: {  	[smem:$0x3FB6] =	sst s9;
	s0 =	simm.s32 @!p0 $0x0  }
0x12: {  	s1 =	sld [smem:$0x3F9C];
	s0 =	simm.s32 @p0 $0x1  }
0x13: {  	[smem:$0x3FB7] =	sst s0;
	s0 =	simm.s32 @!p1 $0x0  }
0x14: {  	s2 =	sld [smem:$0x3F9B];
	s0 =	simm.s32 @p1 $0x1  }
0x15: {  	[smem:$0x3FB8] =	sst s0;
	s0 =	simm.s32 @!p2 $0x0  }
0x16: {  	s3 =	sld [smem:$0x3FDB];
	s0 =	simm.s32 @p2 $0x1  }
0x17: {  	s4 =	simm.s32 $0x1BF5;
	[smem:$0x3FBA] =	sst s0  }
0x18: {  	s0 =	sld [smem:$0x3F9D];
	_ =	swait.ge [sflag:s4], $0x0  }
0x19: {  	s7 =	sld [smem:$0x3F9E]  }
0x1a: {  	s8 =	sadd.s32 $0xFFFFE003, lr  }
0x1b: {  	s9 =	sadd.s32 $0xFFFFFEF7, lr;
	s5 =	simm.s32 $0xFFFFFFFF;
	p2 =	slt.u32 s8, $0xFFFFF086  }
0x1c: {  	p1 =	slt.u32 s9, $0xF7A;
	s5 =	simm.s32 @!p2 $0x0  }
0x1d: {  	s5 =	simm.s32 @p1 $0x1;
	p0 =	seq.s32 s7, s2  }
0x1e: {  	s7 =	smul.u32 @!p0 $0xF7A, s2;
	p2 =	seq.s32 @!p0 s5, $0x0  }
0x1f: {  	s9 =	smul.u32 $0xF7A, s1;
	s8 =	simm.s32 @!p0 $0x1BF5;
	p2 =	por !p2, p0  }
0x20: {  	[sflag:s8] =	ssyncset.s32 @!p0 $0xFFFFF086;
	s6 =	sadd.s32 @!p0 s3, s7;
	s7 =	simm.s32 @!p0 $0x108  }
0x21: {  	s3 =	sadd.s32 s3, s9;
	s6 =	sadd.s32 @!p0 $0x88, s6;
	s7 =	simm.s32 @p2 $0x1082  }
0x22: {  	[simem:s7], [sflag:s8] =	dma.local @!p0 [hbm:s6], $0xF7A  }
0x23: {  	s9 =	sor.u32 $0xD0000000, s2;
	s6 =	simm.s32 $0x108;
	_ =	swait.ge @!p0 [sflag:s8], $0x0  }
0x24: {  	s3 =	sadd.s32 $0x88, s3;
	s6 =	simm.s32 @!p1 $0x1082;
	[sflag:s4] =	ssyncset.s32 $0xFFFFF086  }
0x25: {  	[simem:s6], [sflag:s4] =	dma.local [hbm:s3], $0xF7A  }
0x26: {  	[smem:$0x3F9E] =	sst s1;
	(tag) =	ssettag s2;
	_ =	strace s9  }
0x27: {  	s1 =	sld [smem:$0x3FAE]  }
0x28: {  	s2 =	sld [smem:$0x3FAF]  }
0x29: {  	s4 =	sld [smem:$0x3FB1]  }
0x2a: {  	p0 =	seq.s32 s5, $0x0;
	s5 =	sld [smem:$0x3FB2]  }
0x2b: {  	s6 =	sld [smem:$0x3FB3]  }
0x2c: {  	s7 =	sld [smem:$0x3FB4]  }
0x2d: {  	s3 =	simm.s32 $0x108;
	s8 =	sld [smem:$0x3FB5]  }
0x2e: {  	s3 =	simm.s32 @!p0 $0x1082;
	s9 =	sld [smem:$0x3FB6]  }
0x2f: {  	lr =	sadd.s32 s0, s3;
	s0 =	sld [smem:$0x3FAD]  }
0x30: {  	s3 =	sld [smem:$0x3FB0]  }
0x31: {  	[smem:$0x3FB9] =	sst s10  }
0x32: {  	s10 =	sld [smem:$0x3FB7];
	_ =	sdelay $0x3  }
0x33: {  	p0 =	seq.s32 s10, $0x1;
	s10 =	sld [smem:$0x3FB9];
	_ =	sdelay $0x3  }
0x34: {  	[smem:$0x3FB9] =	sst s10  }
0x35: {  	s10 =	sld [smem:$0x3FB8];
	_ =	sdelay $0x3  }
0x36: {  	p1 =	seq.s32 s10, $0x1;
	s10 =	sld [smem:$0x3FB9];
	_ =	sdelay $0x3  }
0x37: {  	[smem:$0x3FB9] =	sst s10  }
0x38: {  	s10 =	sld [smem:$0x3FBA]  }
0x39: {  	_ = 	snop;
	(pc) =	sbr.ind lr, $3  }
0x3a: {  	_ = 	snop  }
0x3b: {  	_ = 	snop  }
0x3c: {  	p2 =	seq.s32 s10, $0x1;
	s10 =	sld [smem:$0x3FB9]  }
0x3d: {  	_ =	shalt  }
0x3e: {  	_ =	shalt  }
0x3f: {  	_ =	shalt  }
0x40: {  	_ =	shalt  }
0x41: {  	_ =	shalt  }
0x42: {  	_ =	shalt  }
0x43: {  	_ =	shalt  }
0x44: {  	_ =	shalt  }
0x45: {  	_ =	shalt  }
0x46: {  	_ =	shalt  }
0x47: {  	_ =	shalt  }
0x48: {  	_ =	shalt  }
0x49: {  	_ =	shalt  }
0x4a: {  	_ =	shalt  }
0x4b: {  	_ =	shalt  }
0x4c: {  	_ =	shalt  }
0x4d: {  	_ =	shalt  }
0x4e: {  	_ =	shalt  }
0x4f: {  	_ =	shalt  }
0x50: {  	_ =	shalt  }
0x51: {  	_ =	shalt  }
0x52: {  	_ =	shalt  }
0x53: {  	_ =	shalt  }
0x54: {  	_ =	shalt  }
0x55: {  	_ =	shalt  }
0x56: {  	_ =	shalt  }
0x57: {  	_ =	shalt  }
0x58: {  	_ =	shalt  }
0x59: {  	_ =	shalt  }
0x5a: {  	_ =	shalt  }
0x5b: {  	_ =	shalt  }
0x5c: {  	_ =	shalt  }
0x5d: {  	_ =	shalt  }
0x5e: {  	_ =	shalt  }
0x5f: {  	_ =	shalt  }
0x60: {  	_ =	shalt  }
0x61: {  	_ =	shalt  }
0x62: {  	_ =	shalt  }
0x63: {  	_ =	shalt  }
0x64: {  	_ =	shalt  }
0x65: {  	_ =	shalt  }
0x66: {  	_ =	shalt  }
0x67: {  	_ =	shalt  }
0x68: {  	_ =	shalt  }
0x69: {  	_ =	shalt  }
0x6a: {  	_ =	shalt  }
0x6b: {  	_ =	shalt  }
0x6c: {  	_ =	shalt  }
0x6d: {  	_ =	shalt  }
0x6e: {  	_ =	shalt  }
0x6f: {  	_ =	shalt  }
0x70: {  	_ =	shalt  }
0x71: {  	_ =	shalt  }
0x72: {  	_ =	shalt  }
0x73: {  	_ =	shalt  }
0x74: {  	_ =	shalt  }
0x75: {  	_ =	shalt  }
0x76: {  	_ =	shalt  }
0x77: {  	_ =	shalt  }
0x78: {  	_ =	shalt  }
0x79: {  	_ =	shalt  }
0x7a: {  	_ =	shalt  }
0x7b: {  	_ =	shalt  }
0x7c: {  	_ =	shalt  }
0x7d: {  	_ =	shalt  }
0x7e: {  	_ =	shalt  }
0x7f: {  	_ =	shalt  }
0x80: {  	_ =	shalt  }
0x81: {  	_ =	shalt  }
0x82: {  	_ =	shalt  }
0x83: {  	_ =	shalt  }
0x84: {  	_ =	shalt  }
0x85: {  	_ =	shalt  }
0x86: {  	_ =	shalt  }
0x87: {  	_ =	shalt  }
.Lfunc_end0:
.L_simem_size_0:
called_computation_lowered:
.L_overlay_start_0:
0x88: {  	s2 =	sld [smem:$0x3FD9]  }
0x89: {  	s3 =	sld [smem:$0x3FFE];
	_ =	sdelay $0x1  }
0x8a: {  	s1 =	srdreg.scid  }
0x8b: {  	s0 =	sand.u32 $0x1, s1  }
0x8c: {  	s14 =	sshll.u32 s0, $0xA;
	s2 =	sadd.s32 s3, s2  }
0x8d: {  	s2 =	sadd.s32 s2, s14  }
0x8e: {  	[smem:$0x3FC5] =	sst s2  }
0x8f: {  	_ = 	snop  }
0x90: {  	s2 =	sld [smem:$0x3FD0];
	_ =	sdelay $0x2  }
0x91: {  	s4 =	simm.s32 $0xA;
	s5 =	simm.s32 $0x10;
	s15 =	sld [smem:$0x3FC9]  }
0x92: {  	[smem:s5], [sflag:s4] =	dma.local [hbm:s2], $0x1  }
0x93: {  	_ =	swait.eq [sflag:s4], $0x1  }
0x94: {  	[sflag:s4] =	ssyncset.done $0x0  }
0x95: {  	[sflag:s4] =	ssyncadd.s32 $0xFFFFFFFF  }
0x96: {  	s16 =	sld [smem:$0x10];
	(tm) =	ssettm $0x1  }
0x97: {  	s17 =	sld [smem:$0x3FFB];
	_ =	sdelay $0x3  }
0x98: {  	_ =	strace s17  }
0x99: {  	s4 =	sld [smem:$0x3FFC];
	_ =	sdelay $0x3  }
0x9a: {  	_ =	strace s4  }
0x9b: {  	s4 =	sld [smem:$0x3FFD];
	_ =	sdelay $0x3  }
0x9c: {  	_ =	strace s4  }
0x9d: {  	_ =	strace $0x8FFFFFFF  }
0x9e: {  	s18 =	sld [smem:$0x3FDB];
	_ =	sdelay $0x1  }
0x9f: {  	s19 =	simm.s32 $_scs_section_size  }
0xa0: {  	s6 =	simm.s32 $_size__tile_overlayer_lowered;
	s7 =	simm.s32 $_tile_overlayer_lowered  }
0xa1: {  	s22 =	simm.s32 $0x1BFF;
	s21 =	sshll.u32 s7, $0x1;
	s4 =	sadd.s32 s19, s18  }
0xa2: {  	s8 =	simm.s32 $0x0;
	s20 =	sshll.u32 s6, $0x1;
	s6 =	sadd.s32 s21, s4  }
0xa3: {  	[timem:s8], [sflag:s22] =	dma.local [hbm:s6], s20  }
0xa4: {  	_ =	swait.ge [sflag:s22], s20  }
0xa5: {  	s5 =	ssub.s32 $0x0, s20;
	[sflag:s22] =	ssyncset.done $0x0  }
0xa6: {  	[sflag:s22] =	ssyncadd.s32 s5;
	_ =	sdelay $0x1  }
0xa7: {  	s23 =	simm.s32 $0x1B8B  }
0xa8: {  	_ =	swait.ge [sflag:s23], $0x1  }
0xa9: {  	[sflag:s23] =	ssyncset.done $0x0  }
0xaa: {  	s25 =	simm.s32 $0x1B8E;
	s24 =	sld [smem:$0x3FFE];
	[sflag:s23] =	ssyncadd.s32 $0xFFFFFFFF  }
0xab: {  	s26 =	simm.s32 $execute0_lowered;
	[smem:$0x3FD2] =	sst s25  }
0xac: {  	s6 =	sshll.u32 s26, $0x1;
	_ =	strace $0x80000046;
	[dreg:$0x1] =	wrdreg $0xFFFFFFFF  }
0xad: {  	s28 =	simm.s32 $_size_execute0_lowered;
	s4 =	sadd.s32 s4, s6;
	[dreg:$0x0] =	wrdreg $0x0  }
0xae: {  	s6 =	sshll.u32 s28, $0x1;
	[dreg:$0x2] =	wrdreg s4  }
0xaf: {  	[dreg:$0x3] =	wrdreg s6  }
0xb0: {  	[dreg:$0x4] =	wrdreg $0xC0  }
0xb1: {  	_ =	task [dreg:s8], $0x5FFFF  }
0xb2: {  	[dreg:$0x1] =	wrdreg $0xFFFFFFFF  }
0xb3: {  	[dreg:$0x0] =	wrdreg $0x60  }
0xb4: {  	[dreg:$0x2] =	wrdreg s15  }
0xb5: {  	[dreg:$0x3] =	wrdreg s24  }
0xb6: {  	[dreg:$0x4] =	wrdreg s16  }
0xb7: {  	[dreg:$0x5] =	wrdreg $0x19000  }
0xb8: {  	[dreg:$0x6] =	wrdreg $0x9  }
0xb9: {  	_ =	task.clear_ibuf [dreg:s8], $0x7FFFF;
	_ =	strace $0x90000046  }
0xba: {  	s29 =	simm.s32 $0x9;
	_ =	strace $0x80000048  }
0xbb: {  	_ =	swait.ge [sflag:s29], $0x1  }
0xbc: {  	[sflag:s29] =	ssyncadd.s32 $0xFFFFFFFF  }
0xbd: {  	_ =	strace $0x90000048  }
0xbe: {  	_ =	sfence  }
0xbf: {  	s30 =	sld [smem:$0x0];
	_ =	sdelay $0x2  }
0xc0: {  	s31 =	sshll.u32 s1, $0xD;
	s1 =	sshrl.u32 s1, $0x2  }
0xc1: {  	s3 =	sand.u32 $0x4000, s31;
	s1 =	sadd.s32 s1, s30  }
0xc2: {  	s0 =	sor.u32 s3, s0;
	s1 =	sshll.u32 s1, $0x11  }
0xc3: {  	s0 =	sor.u32 s1, s0  }
0xc4: {  	s0 =	sadd.s32 $0x8F2B, s0  }
0xc5: {  	[sflag:s0] =	ssyncadd.remote.s32 $0x1  }
0xc6: {  	_ =	sfence.sel $0xFFFF  }
0xc7: {  	[dreg:$0x0] =	wrdreg $0xFFFFFFFF;
	(pc) =	sbr.abs _section_cstart, $3  }
0xc8: {  	[dreg:$0x1] =	wrdreg $0xFFFFFFFF  }
0xc9: {  	_ =	task.clear_ibuf [dreg:s8], $0x2FFFF;
	_ =	strace $0x9FFFFFFF  }
0xca: {  	(tm) =	ssettm $0x7FFFFFFF  }
0xcb: {  	_ =	shalt  }
tec
execute0_lowered:
.L_overlay_start_1:
0x0: {  	(tag) =	ssettag $0x1  }
0x1: {  	s1 =	rddreg [dreg:$0x0]  }
0x2: {  	s0 =	rddreg [dreg:$0x1]  }
0x3: {  	s2 =	rddreg [dreg:$0x2];
	s3 =	srdreg.scid  }
0x4: {  	s4 =	rddreg [dreg:$0x3];
	s15 =	stileid.u32  }
0x5: {  	s5 =	sand.u32 $0x1, s3;
	s3 =	simm.s32 $0x0;
	s29 =	sshll.u32 s15, $0xB  }
0x6: {  	s30 =	sshll.u32 s15, $0x8;
	s6 =	sshll.u32 s5, $0x1;
	s7 =	ssub.s32 $0x2, s5  }
0x7: {  	[smem:$0x7FF] =	sst s3;
	s31 =	sand.u32 $0x800, s30;
	s6 =	sadd.s32 s15, s6  }
0x8: {  	s9 =	sshrl.u32 s7, $0x1;
	_ =	strace $0x80000047;
	s8 =	sshll.u32 s6, $0x4  }
0x9: {  	s7 =	ssub.s32 s7, s9;
	s28 =	sshll.u32 s6, $0xC;
	s0 =	sadd.s32 s8, s0  }
0xa: {  	[dreg:$0x8] =	wrdreg s28;
	s21 =	smax.u32 s7, $0x1;
	s8 =	sadd.s32 $0x400, s0  }
0xb: {  	s26 =	sadd.s32 $0x200, s0;
	s0 =	sadd.s32 $0x240, s0;
	[dreg:$0xb] =	wrdreg s21  }
0xc: {  	s5 =	sshll.u32 s5, $0xC;
	[dreg:$0x7] =	wrdreg s0;
	s0 =	sadd.s32 s29, s4  }
0xd: {  	s6 =	sand.u32 $0x700, s30;
	[dreg:$0x9] =	wrdreg s0;
	s0 =	sor.u32 s5, s31  }
0xe: {  	[dreg:$0x5] =	wrdreg s8;
	s4 =	sadd.s32 s31, s4;
	s0 =	sor.u32 s6, s0  }
0xf: {  	[dreg:$0x6] =	wrdreg s26;
	s24 =	sadd.s32 s6, s4;
	s0 =	sshll.u32 s0, $0x8  }
0x10: {  	[dreg:$0x15] =	wrdreg s24;
	s2 =	sadd.s32 s2, s0  }
0x11: {  	s0 =	sadd.s32 $0x1000, s2;
	[dreg:$0x16] =	wrdreg s2  }
0x12: {  	s6 =	sadd.s32 $0x2000, s2;
	[dreg:$0x17] =	wrdreg s0  }
0x13: {  	s8 =	sadd.s32 $0x3000, s2;
	[dreg:$0x18] =	wrdreg s6  }
0x14: {  	s9 =	sadd.s32 $0x4000, s2;
	[dreg:$0x19] =	wrdreg s8  }
0x15: {  	s18 =	sadd.s32 $0x5000, s2;
	[dreg:$0x1a] =	wrdreg s9  }
0x16: {  	s19 =	sadd.s32 $0x6000, s2;
	[dreg:$0x1b] =	wrdreg s18  }
0x17: {  	s10 =	sadd.s32 $0x100, s1;
	s20 =	sadd.s32 $0x7000, s2;
	[dreg:$0x14] =	wrdreg s19  }
0x18: {  	s11 =	sadd.s32 $0x200, s1;
	s22 =	sadd.s32 $0x8000, s2;
	[dreg:$0xa] =	wrdreg s20  }
0x19: {  	s12 =	sadd.s32 $0x300, s1;
	s23 =	sadd.s32 $0x9000, s2;
	[dreg:$0xc] =	wrdreg s22  }
0x1a: {  	s13 =	sadd.s32 $0x400, s1;
	s25 =	sadd.s32 $0xA000, s2;
	[dreg:$0xd] =	wrdreg s23  }
0x1b: {  	s14 =	sadd.s32 $0x500, s1;
	s26 =	sadd.s32 $0xB000, s2;
	[dreg:$0xe] =	wrdreg s25  }
0x1c: {  	s16 =	sadd.s32 $0x600, s1;
	s28 =	sadd.s32 $0xC000, s2;
	[dreg:$0xf] =	wrdreg s26  }
.Ltmp0:
0x1d: {  	s29 =	sadd.s32 $0xD000, s2;
	[dreg:$0x10] =	wrdreg s28;
	(pc) =	sbr.rel .LBB2_1-.Ltmp0, $4  }
0x1e: {  	s17 =	sadd.s32 $0x700, s1;
	s30 =	sadd.s32 $0xE000, s2;
	[dreg:$0x11] =	wrdreg s29  }
0x1f: {  	v0 =	vlaneseq.u32;
	p0 =	sgt.u32 s15, $0x1;
	s31 =	sadd.s32 $0xF000, s2;
	[dreg:$0x12] =	wrdreg s30  }
0x20: {  	v1 =	vimm.s32 $0x0;
	vm0 =	vmmov $0xffff;
	v3 =	vshrl.u32 v0, $0x3;
	s4 =	simm.s32 $0x4;
	[dreg:$0x13] =	wrdreg s31;
	s6 =	simm.s32 $0x1100  }
0x21: {  	v2 =	vand.u32 $0x7, v0;
	v4 =	vor.u32 $0x8, v0;
	v3 =	vmul.u32 $0x8, v3;
	s8 =	simm.s32 $0x1;
	s22 =	simm.s32 $0x0;
	s18 =	simm.s32 $0x5  }
.LBB2_4:
0x22: {  	v8 =	vld [tilespmem:s23+$0x0];
	_ =	sdelay $0x4  }
0x23: {  	vm1 =	veq.s32 v8, v5  }
0x24: {  	v10 =	vsel vm1, $0x1, v1  }
0x25: {  	(xrf0) =	vadd.scan.msk.s32 $0xffff, v10;
	_ =	sdelay $0x5  }
0x26: {  	v10, _, _ =	vpop (xrf0)  }
0x27: {  	v9 =	vadd.s32 v9, v10  }
0x28: {  	vm2 =	vle.s32 v9, v6  }
0x29: {  	vm3 =	vgt.s32 v8, v5;
	vm1 =	vmand vm1, vm2  }
0x2a: {  	vm1 =	vmor vm3, vm1  }
0x2b: {  	v5 =	vsel vm1, $0x1, v1  }
0x2c: {  	(xrf0) =	vadd.scan.msk.s32 $0xffff, v5;
	_ =	sdelay $0x5  }
0x2d: {  	v5, _, _ =	vpop (xrf0)  }
0x2e: {  	v5 =	vadd.s32 v5, v7  }
0x2f: {  	v5 =	vadd.s32 $0xFFFFFFFF, v5;
	_ =	sdelay $0x2  }
0x30: {  	s21 =	sadd.s32 $0x10, s21  }
0x31: {  	v6 =	vor.u32 s21, v0  }
0x32: {  	s31 =	rddreg [dreg:$0x9];
	s5 =	simm.s32 $0x7;
	[tilespmem:v5+s6+$0x0] =	vst.idx.msk vm1, v6  }
0x33: {  	[spmem:s31] =	stream.linear.scatter [tilespmem:s6], [sflag:$0x7], $0x800, $0x38;
	[tilespmem:$0x19B00] =	vst v63  }
0x34: {  	_ =	swait.ge [sflag:s5], $0x800  }
0x35: {  	[sflag:s5] =	ssyncset.done $0x0  }
0x36: {  	[sflag:s5] =	ssyncadd.s32 $0xFFFFF800  }
.LBB2_5:
0x37: {  	[dreg:$0x1c] =	wrdreg s20  }
0x38: {  	s21 =	simm.s32 $0x1A00;
	s2 =	simm.s32 $0x7;
	[bflag:$0x0] =	sbarrier.arrive $0xFFFF  }
0x39: {  	[tilespmem:s21], [sflag:$0x7] =	stream.linear.gather [spmem:s24], $0x100, $0x38;
	[tilespmem:$0x19B00] =	vst v63  }
0x3a: {  	_ =	swait.ge [sflag:s2], $0x100  }
0x3b: {  	[sflag:s2] =	ssyncset.done $0x0  }
0x3c: {  	[sflag:s2] =	ssyncadd.s32 $0xFFFFFF00  }
0x3d: {  	v5 =	vld [tilespmem:$0x1A00];
	_ =	sdelay $0x4  }
0x3e: {  	v6 =	vshll.u32 v5, $0x4  }
0x3f: {  	v5 =	vand.u32 $0x7, v5;
	v6 =	vand.u32 $0xFFFFFF80, v6  }
0x40: {  	v5 =	vor.u32 v5, v6  }
0x41: {  	v6 =	vperm.xlane v5, v2;
	_ =	sdelay $0x1  }
0x42: {  	v6 =	vadd.s32 v3, v6;
	_ =	sdelay $0x3  }
0x43: {  	s20 =	simm.s32 $0x1B00  }
0x44: {  	[tilespmem:s20], [sflag:$0x1] =	stream.indirect_vreg.gather [hbm4b:s1+s3], $0x80, v6, vm0, $0xb8;
	[tilespmem:$0x19B00] =	vst v63  }
0x45: {  	s0 =	simm.s32 $0x2300  }
0x46: {  	[tilespmem:s0], [sflag:$0x1] =	stream.indirect_vreg.gather [hbm4b:s10+s3], $0x80, v6, vm0, $0xb8;
	[tilespmem:$0x19B00] =	vst v63  }
0x47: {  	s5 =	simm.s32 $0x2B00  }
0x48: {  	[tilespmem:s5], [sflag:$0x1] =	stream.indirect_vreg.gather [hbm4b:s11+s3], $0x80, v6, vm0, $0xb8;
	[tilespmem:$0x19B00] =	vst v63  }
0x49: {  	s7 =	simm.s32 $0x3300  }
0x4a: {  	[tilespmem:s7], [sflag:$0x1] =	stream.indirect_vreg.gather [hbm4b:s12+s3], $0x80, v6, vm0, $0xb8;
	[tilespmem:$0x19B00] =	vst v63  }
0x4b: {  	s9 =	simm.s32 $0x3B00  }
0x4c: {  	[tilespmem:s9], [sflag:$0x1] =	stream.indirect_vreg.gather [hbm4b:s13+s3], $0x80, v6, vm0, $0xb8;
	[tilespmem:$0x19B00] =	vst v63  }
0x4d: {  	s15 =	simm.s32 $0x4300;
	v5 =	vperm.xlane v5, v4  }
0x4e: {  	[tilespmem:s15], [sflag:$0x1] =	stream.indirect_vreg.gather [hbm4b:s14+s3], $0x80, v6, vm0, $0xb8;
	[tilespmem:$0x19B00] =	vst v63  }
0x4f: {  	s19 =	simm.s32 $0x4B00;
	v5 =	vadd.s32 v3, v5  }
0x50: {  	[tilespmem:s19], [sflag:$0x1] =	stream.indirect_vreg.gather [hbm4b:s16+s3], $0x80, v6, vm0, $0xb8;
	[tilespmem:$0x19B00] =	vst v63  }
0x51: {  	s21 =	simm.s32 $0x5300  }
0x52: {  	[tilespmem:s21], [sflag:$0x1] =	stream.indirect_vreg.gather [hbm4b:s17+s3], $0x80, v6, vm0, $0xb8;
	[tilespmem:$0x19B00] =	vst v63  }
0x53: {  	s22 =	simm.s32 $0x5B00  }
0x54: {  	[tilespmem:s22], [sflag:$0x1] =	stream.indirect_vreg.gather [hbm4b:s1+s3], $0x80, v5, vm0, $0xb8;
	[tilespmem:$0x19B00] =	vst v63  }
0x55: {  	s23 =	simm.s32 $0x6300  }
0x56: {  	[tilespmem:s23], [sflag:$0x1] =	stream.indirect_vreg.gather [hbm4b:s10+s3], $0x80, v5, vm0, $0xb8;
	[tilespmem:$0x19B00] =	vst v63  }
0x57: {  	s24 =	simm.s32 $0x6B00  }
0x58: {  	[tilespmem:s24], [sflag:$0x1] =	stream.indirect_vreg.gather [hbm4b:s11+s3], $0x80, v5, vm0, $0xb8;
	[tilespmem:$0x19B00] =	vst v63  }
0x59: {  	s25 =	simm.s32 $0x7300  }
0x5a: {  	[tilespmem:s25], [sflag:$0x1] =	stream.indirect_vreg.gather [hbm4b:s12+s3], $0x80, v5, vm0, $0xb8;
	[tilespmem:$0x19B00] =	vst v63  }
0x5b: {  	s26 =	simm.s32 $0x7B00  }
0x5c: {  	[tilespmem:s26], [sflag:$0x1] =	stream.indirect_vreg.gather [hbm4b:s13+s3], $0x80, v5, vm0, $0xb8;
	[tilespmem:$0x19B00] =	vst v63  }
0x5d: {  	s30 =	simm.s32 $0x8300  }
0x5e: {  	[tilespmem:s30], [sflag:$0x1] =	stream.indirect_vreg.gather [hbm4b:s14+s3], $0x80, v5, vm0, $0xb8;
	[tilespmem:$0x19B00] =	vst v63  }
0x5f: {  	s31 =	simm.s32 $0x8B00  }
0x60: {  	[tilespmem:s31], [sflag:$0x1] =	stream.indirect_vreg.gather [hbm4b:s16+s3], $0x80, v5, vm0, $0xb8;
	[tilespmem:$0x19B00] =	vst v63  }
0x61: {  	s2 =	simm.s32 $0x9300  }
0x62: {  	[tilespmem:s2], [sflag:$0x1] =	stream.indirect_vreg.gather [hbm4b:s17+s3], $0x80, v5, vm0, $0xb8;
	[tilespmem:$0x19B00] =	vst v63  }
0x63: {  	v5 =	vld [tilespmem:$0x1A10];
	_ =	sdelay $0x4  }
0x64: {  	v6 =	vshll.u32 v5, $0x4  }
0x65: {  	v5 =	vand.u32 $0x7, v5;
	v6 =	vand.u32 $0xFFFFFF80, v6  }
0x66: {  	v5 =	vor.u32 v5, v6  }
0x67: {  	v6 =	vperm.xlane v5, v2;
	_ =	sdelay $0x1  }
0x68: {  	v6 =	vadd.s32 v3, v6;
	_ =	sdelay $0x3  }
0x69: {  	s7 =	simm.s32 $0x9B00  }
0x6a: {  	[tilespmem:s7], [sflag:$0x2] =	stream.indirect_vreg.gather [hbm4b:s1+s3], $0x80, v6, vm0, $0xb8;
	[tilespmem:$0x19B00] =	vst v63  }
0x6b: {  	s15 =	simm.s32 $0xA300  }
0x6c: {  	[tilespmem:s15], [sflag:$0x2] =	stream.indirect_vreg.gather [hbm4b:s10+s3], $0x80, v6, vm0, $0xb8;
	[tilespmem:$0x19B00] =	vst v63  }
0x6d: {  	s19 =	simm.s32 $0xAB00  }
0x6e: {  	[tilespmem:s19], [sflag:$0x2] =	stream.indirect_vreg.gather [hbm4b:s11+s3], $0x80, v6, vm0, $0xb8;
	[tilespmem:$0x19B00] =	vst v63  }
0x6f: {  	s21 =	simm.s32 $0xB300  }
0x70: {  	[tilespmem:s21], [sflag:$0x2] =	stream.indirect_vreg.gather [hbm4b:s12+s3], $0x80, v6, vm0, $0xb8;
	[tilespmem:$0x19B00] =	vst v63  }
0x71: {  	s22 =	simm.s32 $0xBB00  }
0x72: {  	[tilespmem:s22], [sflag:$0x2] =	stream.indirect_vreg.gather [hbm4b:s13+s3], $0x80, v6, vm0, $0xb8;
	[tilespmem:$0x19B00] =	vst v63  }
0x73: {  	s25 =	simm.s32 $0xC300;
	v5 =	vperm.xlane v5, v4  }
0x74: {  	[tilespmem:s25], [sflag:$0x2] =	stream.indirect_vreg.gather [hbm4b:s14+s3], $0x80, v6, vm0, $0xb8;
	[tilespmem:$0x19B00] =	vst v63  }
0x75: {  	s26 =	simm.s32 $0xCB00;
	v5 =	vadd.s32 v3, v5  }
0x76: {  	[tilespmem:s26], [sflag:$0x2] =	stream.indirect_vreg.gather [hbm4b:s16+s3], $0x80, v6, vm0, $0xb8;
	[tilespmem:$0x19B00] =	vst v63  }
0x77: {  	s30 =	simm.s32 $0xD300  }
0x78: {  	[tilespmem:s30], [sflag:$0x2] =	stream.indirect_vreg.gather [hbm4b:s17+s3], $0x80, v6, vm0, $0xb8;
	[tilespmem:$0x19B00] =	vst v63  }
0x79: {  	s31 =	simm.s32 $0xDB00  }
0x7a: {  	[tilespmem:s31], [sflag:$0x2] =	stream.indirect_vreg.gather [hbm4b:s1+s3], $0x80, v5, vm0, $0xb8;
	[tilespmem:$0x19B00] =	vst v63  }
0x7b: {  	s2 =	simm.s32 $0xE300  }
0x7c: {  	[tilespmem:s2], [sflag:$0x2] =	stream.indirect_vreg.gather [hbm4b:s10+s3], $0x80, v5, vm0, $0xb8;
	[tilespmem:$0x19B00] =	vst v63  }
0x7d: {  	s21 =	simm.s32 $0xEB00  }
0x7e: {  	[tilespmem:s21], [sflag:$0x2] =	stream.indirect_vreg.gather [hbm4b:s11+s3], $0x80, v5, vm0, $0xb8;
	[tilespmem:$0x19B00] =	vst v63  }
0x7f: {  	s25 =	simm.s32 $0xF300  }
0x80: {  	[tilespmem:s25], [sflag:$0x2] =	stream.indirect_vreg.gather [hbm4b:s12+s3], $0x80, v5, vm0, $0xb8;
	[tilespmem:$0x19B00] =	vst v63  }
0x81: {  	s26 =	simm.s32 $0xFB00  }
0x82: {  	[tilespmem:s26], [sflag:$0x2] =	stream.indirect_vreg.gather [hbm4b:s13+s3], $0x80, v5, vm0, $0xb8;
	[tilespmem:$0x19B00] =	vst v63  }
0x83: {  	s30 =	simm.s32 $0x10300  }
0x84: {  	[tilespmem:s30], [sflag:$0x2] =	stream.indirect_vreg.gather [hbm4b:s14+s3], $0x80, v5, vm0, $0xb8;
	[tilespmem:$0x19B00] =	vst v63  }
0x85: {  	s31 =	simm.s32 $0x10B00  }
0x86: {  	[tilespmem:s31], [sflag:$0x2] =	stream.indirect_vreg.gather [hbm4b:s16+s3], $0x80, v5, vm0, $0xb8;
	[tilespmem:$0x19B00] =	vst v63  }
0x87: {  	s2 =	simm.s32 $0x11300  }
0x88: {  	[tilespmem:s2], [sflag:$0x2] =	stream.indirect_vreg.gather [hbm4b:s17+s3], $0x80, v5, vm0, $0xb8;
	[tilespmem:$0x19B00] =	vst v63  }
0x89: {  	v5 =	vld [tilespmem:$0x1A20];
	_ =	sdelay $0x4  }
0x8a: {  	v6 =	vshll.u32 v5, $0x4  }
0x8b: {  	v5 =	vand.u32 $0x7, v5;
	v6 =	vand.u32 $0xFFFFFF80, v6  }
0x8c: {  	v5 =	vor.u32 v5, v6  }
0x8d: {  	v6 =	vperm.xlane v5, v2;
	_ =	sdelay $0x1  }
0x8e: {  	v6 =	vadd.s32 v3, v6;
	_ =	sdelay $0x3  }
0x8f: {  	s21 =	simm.s32 $0x11B00  }
0x90: {  	[tilespmem:s21], [sflag:$0x3] =	stream.indirect_vreg.gather [hbm4b:s1+s3], $0x80, v6, vm0, $0xb8;
	[tilespmem:$0x19B00] =	vst v63  }
0x91: {  	s2 =	simm.s32 $0x12300  }
0x92: {  	[tilespmem:s2], [sflag:$0x3] =	stream.indirect_vreg.gather [hbm4b:s10+s3], $0x80, v6, vm0, $0xb8;
	[tilespmem:$0x19B00] =	vst v63  }
0x93: {  	s25 =	simm.s32 $0x12B00  }
0x94: {  	[tilespmem:s25], [sflag:$0x3] =	stream.indirect_vreg.gather [hbm4b:s11+s3], $0x80, v6, vm0, $0xb8;
	[tilespmem:$0x19B00] =	vst v63  }
0x95: {  	s26 =	simm.s32 $0x13300  }
0x96: {  	[tilespmem:s26], [sflag:$0x3] =	stream.indirect_vreg.gather [hbm4b:s12+s3], $0x80, v6, vm0, $0xb8;
	[tilespmem:$0x19B00] =	vst v63  }
0x97: {  	s30 =	simm.s32 $0x13B00  }
0x98: {  	[tilespmem:s30], [sflag:$0x3] =	stream.indirect_vreg.gather [hbm4b:s13+s3], $0x80, v6, vm0, $0xb8;
	[tilespmem:$0x19B00] =	vst v63  }
0x99: {  	s31 =	simm.s32 $0x14300;
	v5 =	vperm.xlane v5, v4  }
0x9a: {  	[tilespmem:s31], [sflag:$0x3] =	stream.indirect_vreg.gather [hbm4b:s14+s3], $0x80, v6, vm0, $0xb8;
	[tilespmem:$0x19B00] =	vst v63  }
0x9b: {  	s0 =	simm.s32 $0x14B00;
	v5 =	vadd.s32 v3, v5  }
0x9c: {  	[tilespmem:s0], [sflag:$0x3] =	stream.indirect_vreg.gather [hbm4b:s16+s3], $0x80, v6, vm0, $0xb8;
	[tilespmem:$0x19B00] =	vst v63  }
0x9d: {  	s21 =	simm.s32 $0x15300  }
0x9e: {  	[tilespmem:s21], [sflag:$0x3] =	stream.indirect_vreg.gather [hbm4b:s17+s3], $0x80, v6, vm0, $0xb8;
	[tilespmem:$0x19B00] =	vst v63  }
0x9f: {  	s25 =	simm.s32 $0x15B00  }
0xa0: {  	[tilespmem:s25], [sflag:$0x3] =	stream.indirect_vreg.gather [hbm4b:s1+s3], $0x80, v5, vm0, $0xb8;
	[tilespmem:$0x19B00] =	vst v63  }
0xa1: {  	s26 =	simm.s32 $0x16300  }
0xa2: {  	[tilespmem:s26], [sflag:$0x3] =	stream.indirect_vreg.gather [hbm4b:s10+s3], $0x80, v5, vm0, $0xb8;
	[tilespmem:$0x19B00] =	vst v63  }
0xa3: {  	s30 =	simm.s32 $0x16B00  }
0xa4: {  	[tilespmem:s30], [sflag:$0x3] =	stream.indirect_vreg.gather [hbm4b:s11+s3], $0x80, v5, vm0, $0xb8;
	[tilespmem:$0x19B00] =	vst v63  }
0xa5: {  	s31 =	simm.s32 $0x17300  }
0xa6: {  	[tilespmem:s31], [sflag:$0x3] =	stream.indirect_vreg.gather [hbm4b:s12+s3], $0x80, v5, vm0, $0xb8;
	[tilespmem:$0x19B00] =	vst v63  }
0xa7: {  	s0 =	simm.s32 $0x17B00  }
0xa8: {  	[tilespmem:s0], [sflag:$0x3] =	stream.indirect_vreg.gather [hbm4b:s13+s3], $0x80, v5, vm0, $0xb8;
	[tilespmem:$0x19B00] =	vst v63  }
0xa9: {  	s21 =	simm.s32 $0x18300  }
0xaa: {  	[tilespmem:s21], [sflag:$0x3] =	stream.indirect_vreg.gather [hbm4b:s14+s3], $0x80, v5, vm0, $0xb8;
	[tilespmem:$0x19B00] =	vst v63  }
0xab: {  	s25 =	simm.s32 $0x18B00  }
0xac: {  	[tilespmem:s25], [sflag:$0x3] =	stream.indirect_vreg.gather [hbm4b:s16+s3], $0x80, v5, vm0, $0xb8;
	[tilespmem:$0x19B00] =	vst v63  }
0xad: {  	s26 =	simm.s32 $0x19300  }
0xae: {  	[tilespmem:s26], [sflag:$0x3] =	stream.indirect_vreg.gather [hbm4b:s17+s3], $0x80, v5, vm0, $0xb8;
	[tilespmem:$0x19B00] =	vst v63  }
0xaf: {  	_ =	swait.ge [sflag:s8], $0x8000  }
0xb0: {  	[sflag:s8] =	ssyncset.done $0x0  }
0xb1: {  	s30 =	rddreg [dreg:$0x16];
	[sflag:s8] =	ssyncadd.s32 $0xFFFF8000  }
0xb2: {  	[hbm4b:s30+s3] =	stream.linear.scatter [tilespmem:s20], [sflag:$0x4], $0x8000, $0x38;
	[tilespmem:$0x19B00] =	vst v63  }
0xb3: {  	_ =	swait.ge [sflag:s4], $0x8000  }
0xb4: {  	[sflag:s4] =	ssyncset.done $0x0  }
0xb5: {  	[sflag:s4] =	ssyncadd.s32 $0xFFFF8000  }
0xb6: {  	v5 =	vld [tilespmem:$0x1A30];
	_ =	sdelay $0x4  }
0xb7: {  	v6 =	vshll.u32 v5, $0x4  }
0xb8: {  	v5 =	vand.u32 $0x7, v5;
	v6 =	vand.u32 $0xFFFFFF80, v6  }
0xb9: {  	v5 =	vor.u32 v5, v6  }
0xba: {  	v6 =	vperm.xlane v5, v2;
	_ =	sdelay $0x1  }
0xbb: {  	v6 =	vadd.s32 v3, v6;
	_ =	sdelay $0x4  }
0xbc: {  	[tilespmem:s20], [sflag:$0x1] =	stream.indirect_vreg.gather [hbm4b:s1+s3], $0x80, v6, vm0, $0xb8;
	[tilespmem:$0x19B00] =	vst v63  }
0xbd: {  	s31 =	simm.s32 $0x2300  }
0xbe: {  	[tilespmem:s31], [sflag:$0x1] =	stream.indirect_vreg.gather [hbm4b:s10+s3], $0x80, v6, vm0, $0xb8;
	[tilespmem:$0x19B00] =	vst v63  }
0xbf: {  	s25 =	simm.s32 $0x2B00  }
0xc0: {  	[tilespmem:s25], [sflag:$0x1] =	stream.indirect_vreg.gather [hbm4b:s11+s3], $0x80, v6, vm0, $0xb8;
	[tilespmem:$0x19B00] =	vst v63  }
0xc1: {  	s26 =	simm.s32 $0x3300  }
0xc2: {  	[tilespmem:s26], [sflag:$0x1] =	stream.indirect_vreg.gather [hbm4b:s12+s3], $0x80, v6, vm0, $0xb8;
	[tilespmem:$0x19B00] =	vst v63  }
0xc3: {  	s28 =	simm.s32 $0x3B00  }
0xc4: {  	[tilespmem:s28], [sflag:$0x1] =	stream.indirect_vreg.gather [hbm4b:s13+s3], $0x80, v6, vm0, $0xb8;
	[tilespmem:$0x19B00] =	vst v63  }
0xc5: {  	s29 =	simm.s32 $0x4300;
	v5 =	vperm.xlane v5, v4  }
0xc6: {  	[tilespmem:s29], [sflag:$0x1] =	stream.indirect_vreg.gather [hbm4b:s14+s3], $0x80, v6, vm0, $0xb8;
	[tilespmem:$0x19B00] =	vst v63  }
0xc7: {  	v5 =	vadd.s32 v3, v5;
	s28 =	simm.s32 $0x4B00  }
0xc8: {  	[tilespmem:s28], [sflag:$0x1] =	stream.indirect_vreg.gather [hbm4b:s16+s3], $0x80, v6, vm0, $0xb8;
	[tilespmem:$0x19B00] =	vst v63  }
0xc9: {  	s29 =	simm.s32 $0x5300  }
0xca: {  	[tilespmem:s29], [sflag:$0x1] =	stream.indirect_vreg.gather [hbm4b:s17+s3], $0x80, v6, vm0, $0xb8;
	[tilespmem:$0x19B00] =	vst v63  }
0xcb: {  	s30 =	simm.s32 $0x5B00  }
0xcc: {  	[tilespmem:s30], [sflag:$0x1] =	stream.indirect_vreg.gather [hbm4b:s1+s3], $0x80, v5, vm0, $0xb8;
	[tilespmem:$0x19B00] =	vst v63  }
0xcd: {  	s31 =	simm.s32 $0x6300  }
0xce: {  	[tilespmem:s31], [sflag:$0x1] =	stream.indirect_vreg.gather [hbm4b:s10+s3], $0x80, v5, vm0, $0xb8;
	[tilespmem:$0x19B00] =	vst v63  }
0xcf: {  	s9 =	simm.s32 $0x6B00  }
0xd0: {  	[tilespmem:s9], [sflag:$0x1] =	stream.indirect_vreg.gather [hbm4b:s11+s3], $0x80, v5, vm0, $0xb8;
	[tilespmem:$0x19B00] =	vst v63  }
0xd1: {  	s23 =	simm.s32 $0x7300  }
0xd2: {  	[tilespmem:s23], [sflag:$0x1] =	stream.indirect_vreg.gather [hbm4b:s12+s3], $0x80, v5, vm0, $0xb8;
	[tilespmem:$0x19B00] =	vst v63  }
0xd3: {  	s5 =	simm.s32 $0x7B00  }
0xd4: {  	[tilespmem:s5], [sflag:$0x1] =	stream.indirect_vreg.gather [hbm4b:s13+s3], $0x80, v5, vm0, $0xb8;
	[tilespmem:$0x19B00] =	vst v63  }
0xd5: {  	s5 =	simm.s32 $0x8300  }
0xd6: {  	[tilespmem:s5], [sflag:$0x1] =	stream.indirect_vreg.gather [hbm4b:s14+s3], $0x80, v5, vm0, $0xb8;
	[tilespmem:$0x19B00] =	vst v63  }
0xd7: {  	s23 =	simm.s32 $0x8B00  }
0xd8: {  	[tilespmem:s23], [sflag:$0x1] =	stream.indirect_vreg.gather [hbm4b:s16+s3], $0x80, v5, vm0, $0xb8;
	[tilespmem:$0x19B00] =	vst v63  }
0xd9: {  	s24 =	simm.s32 $0x9300;
	s9 =	simm.s32 $0x2  }
0xda: {  	[tilespmem:s24], [sflag:$0x1] =	stream.indirect_vreg.gather [hbm4b:s17+s3], $0x80, v5, vm0, $0xb8;
	[tilespmem:$0x19B00] =	vst v63  }
0xdb: {  	_ =	swait.ge [sflag:s9], $0x8000  }
0xdc: {  	[sflag:s9] =	ssyncset.done $0x0  }
0xdd: {  	s24 =	simm.s32 $0x9B00;
	s2 =	rddreg [dreg:$0x17];
	[sflag:s9] =	ssyncadd.s32 $0xFFFF8000  }
0xde: {  	[hbm4b:s2+s3] =	stream.linear.scatter [tilespmem:s24], [sflag:$0x5], $0x8000, $0x38;
	[tilespmem:$0x19B00] =	vst v63  }
0xdf: {  	_ =	swait.ge [sflag:s18], $0x8000  }
0xe0: {  	[sflag:s18] =	ssyncset.done $0x0  }
0xe1: {  	[sflag:s18] =	ssyncadd.s32 $0xFFFF8000  }
0xe2: {  	v5 =	vld [tilespmem:$0x1A40];
	_ =	sdelay $0x4  }
0xe3: {  	v6 =	vshll.u32 v5, $0x4  }
0xe4: {  	v5 =	vand.u32 $0x7, v5;
	v6 =	vand.u32 $0xFFFFFF80, v6  }
0xe5: {  	v5 =	vor.u32 v5, v6  }
0xe6: {  	v6 =	vperm.xlane v5, v2;
	_ =	sdelay $0x1  }
0xe7: {  	v6 =	vadd.s32 v3, v6;
	_ =	sdelay $0x4  }
0xe8: {  	[tilespmem:s24], [sflag:$0x2] =	stream.indirect_vreg.gather [hbm4b:s1+s3], $0x80, v6, vm0, $0xb8;
	[tilespmem:$0x19B00] =	vst v63  }
0xe9: {  	s2 =	simm.s32 $0xA300  }
0xea: {  	[tilespmem:s2], [sflag:$0x2] =	stream.indirect_vreg.gather [hbm4b:s10+s3], $0x80, v6, vm0, $0xb8;
	[tilespmem:$0x19B00] =	vst v63  }
0xeb: {  	s7 =	simm.s32 $0xAB00  }
0xec: {  	[tilespmem:s7], [sflag:$0x2] =	stream.indirect_vreg.gather [hbm4b:s11+s3], $0x80, v6, vm0, $0xb8;
	[tilespmem:$0x19B00] =	vst v63  }
0xed: {  	s15 =	simm.s32 $0xB300  }
0xee: {  	[tilespmem:s15], [sflag:$0x2] =	stream.indirect_vreg.gather [hbm4b:s12+s3], $0x80, v6, vm0, $0xb8;
	[tilespmem:$0x19B00] =	vst v63  }
0xef: {  	s19 =	simm.s32 $0xBB00  }
0xf0: {  	[tilespmem:s19], [sflag:$0x2] =	stream.indirect_vreg.gather [hbm4b:s13+s3], $0x80, v6, vm0, $0xb8;
	[tilespmem:$0x19B00] =	vst v63  }
0xf1: {  	s22 =	simm.s32 $0xC300;
	v5 =	vperm.xlane v5, v4  }
0xf2: {  	[tilespmem:s22], [sflag:$0x2] =	stream.indirect_vreg.gather [hbm4b:s14+s3], $0x80, v6, vm0, $0xb8;
	[tilespmem:$0x19B00] =	vst v63  }
0xf3: {  	v5 =	vadd.s32 v3, v5;
	s19 =	simm.s32 $0xCB00  }
0xf4: {  	[tilespmem:s19], [sflag:$0x2] =	stream.indirect_vreg.gather [hbm4b:s16+s3], $0x80, v6, vm0, $0xb8;
	[tilespmem:$0x19B00] =	vst v63  }
0xf5: {  	s21 =	simm.s32 $0xD300  }
0xf6: {  	[tilespmem:s21], [sflag:$0x2] =	stream.indirect_vreg.gather [hbm4b:s17+s3], $0x80, v6, vm0, $0xb8;
	[tilespmem:$0x19B00] =	vst v63  }
0xf7: {  	s22 =	simm.s32 $0xDB00  }
0xf8: {  	[tilespmem:s22], [sflag:$0x2] =	stream.indirect_vreg.gather [hbm4b:s1+s3], $0x80, v5, vm0, $0xb8;
	[tilespmem:$0x19B00] =	vst v63  }
0xf9: {  	s24 =	simm.s32 $0xE300  }
0xfa: {  	[tilespmem:s24], [sflag:$0x2] =	stream.indirect_vreg.gather [hbm4b:s10+s3], $0x80, v5, vm0, $0xb8;
	[tilespmem:$0x19B00] =	vst v63  }
0xfb: {  	s2 =	simm.s32 $0xEB00  }
0xfc: {  	[tilespmem:s2], [sflag:$0x2] =	stream.indirect_vreg.gather [hbm4b:s11+s3], $0x80, v5, vm0, $0xb8;
	[tilespmem:$0x19B00] =	vst v63  }
0xfd: {  	s7 =	simm.s32 $0xF300  }
0xfe: {  	[tilespmem:s7], [sflag:$0x2] =	stream.indirect_vreg.gather [hbm4b:s12+s3], $0x80, v5, vm0, $0xb8;
	[tilespmem:$0x19B00] =	vst v63  }
0xff: {  	s19 =	simm.s32 $0xFB00  }
0x100: {  	[tilespmem:s19], [sflag:$0x2] =	stream.indirect_vreg.gather [hbm4b:s13+s3], $0x80, v5, vm0, $0xb8;
	[tilespmem:$0x19B00] =	vst v63  }
0x101: {  	s21 =	simm.s32 $0x10300  }
0x102: {  	[tilespmem:s21], [sflag:$0x2] =	stream.indirect_vreg.gather [hbm4b:s14+s3], $0x80, v5, vm0, $0xb8;
	[tilespmem:$0x19B00] =	vst v63  }
0x103: {  	s22 =	simm.s32 $0x10B00  }
0x104: {  	[tilespmem:s22], [sflag:$0x2] =	stream.indirect_vreg.gather [hbm4b:s16+s3], $0x80, v5, vm0, $0xb8;
	[tilespmem:$0x19B00] =	vst v63  }
0x105: {  	s24 =	simm.s32 $0x11300;
	s19 =	simm.s32 $0x3  }
0x106: {  	[tilespmem:s24], [sflag:$0x2] =	stream.indirect_vreg.gather [hbm4b:s17+s3], $0x80, v5, vm0, $0xb8;
	[tilespmem:$0x19B00] =	vst v63  }
0x107: {  	_ =	swait.ge [sflag:s19], $0x8000  }
0x108: {  	[sflag:s19] =	ssyncset.done $0x0  }
0x109: {  	s2 =	simm.s32 $0x11B00;
	s0 =	rddreg [dreg:$0x18];
	[sflag:s19] =	ssyncadd.s32 $0xFFFF8000  }
0x10a: {  	[hbm4b:s0+s3] =	stream.linear.scatter [tilespmem:s2], [sflag:$0x6], $0x8000, $0x38;
	[tilespmem:$0x19B00] =	vst v63  }
0x10b: {  	s0 =	simm.s32 $0x6  }
0x10c: {  	_ =	swait.ge [sflag:s0], $0x8000  }
0x10d: {  	[sflag:s0] =	ssyncset.done $0x0  }
0x10e: {  	[sflag:s0] =	ssyncadd.s32 $0xFFFF8000  }
0x10f: {  	v5 =	vld [tilespmem:$0x1A50];
	_ =	sdelay $0x4  }
0x110: {  	v6 =	vshll.u32 v5, $0x4  }
0x111: {  	v5 =	vand.u32 $0x7, v5;
	v6 =	vand.u32 $0xFFFFFF80, v6  }
0x112: {  	v5 =	vor.u32 v5, v6  }
0x113: {  	v6 =	vperm.xlane v5, v2;
	_ =	sdelay $0x1  }
0x114: {  	v6 =	vadd.s32 v3, v6;
	_ =	sdelay $0x4  }
0x115: {  	[tilespmem:s2], [sflag:$0x3] =	stream.indirect_vreg.gather [hbm4b:s1+s3], $0x80, v6, vm0, $0xb8;
	[tilespmem:$0x19B00] =	vst v63  }
0x116: {  	s7 =	simm.s32 $0x12300  }
0x117: {  	[tilespmem:s7], [sflag:$0x3] =	stream.indirect_vreg.gather [hbm4b:s10+s3], $0x80, v6, vm0, $0xb8;
	[tilespmem:$0x19B00] =	vst v63  }
0x118: {  	s2 =	simm.s32 $0x12B00  }
0x119: {  	[tilespmem:s2], [sflag:$0x3] =	stream.indirect_vreg.gather [hbm4b:s11+s3], $0x80, v6, vm0, $0xb8;
	[tilespmem:$0x19B00] =	vst v63  }
0x11a: {  	s21 =	simm.s32 $0x13300  }
0x11b: {  	[tilespmem:s21], [sflag:$0x3] =	stream.indirect_vreg.gather [hbm4b:s12+s3], $0x80, v6, vm0, $0xb8;
	[tilespmem:$0x19B00] =	vst v63  }
0x11c: {  	s22 =	simm.s32 $0x13B00  }
0x11d: {  	[tilespmem:s22], [sflag:$0x3] =	stream.indirect_vreg.gather [hbm4b:s13+s3], $0x80, v6, vm0, $0xb8;
	[tilespmem:$0x19B00] =	vst v63  }
0x11e: {  	s24 =	simm.s32 $0x14300;
	v5 =	vperm.xlane v5, v4  }
0x11f: {  	[tilespmem:s24], [sflag:$0x3] =	stream.indirect_vreg.gather [hbm4b:s14+s3], $0x80, v6, vm0, $0xb8;
	[tilespmem:$0x19B00] =	vst v63  }
0x120: {  	v5 =	vadd.s32 v3, v5;
	s21 =	simm.s32 $0x14B00  }
0x121: {  	[tilespmem:s21], [sflag:$0x3] =	stream.indirect_vreg.gather [hbm4b:s16+s3], $0x80, v6, vm0, $0xb8;
	[tilespmem:$0x19B00] =	vst v63  }
0x122: {  	s22 =	simm.s32 $0x15300  }
0x123: {  	[tilespmem:s22], [sflag:$0x3] =	stream.indirect_vreg.gather [hbm4b:s17+s3], $0x80, v6, vm0, $0xb8;
	[tilespmem:$0x19B00] =	vst v63  }
0x124: {  	s24 =	simm.s32 $0x15B00  }
0x125: {  	[tilespmem:s24], [sflag:$0x3] =	stream.indirect_vreg.gather [hbm4b:s1+s3], $0x80, v5, vm0, $0xb8;
	[tilespmem:$0x19B00] =	vst v63  }
0x126: {  	s24 =	simm.s32 $0x16300  }
0x127: {  	[tilespmem:s24], [sflag:$0x3] =	stream.indirect_vreg.gather [hbm4b:s10+s3], $0x80, v5, vm0, $0xb8;
	[tilespmem:$0x19B00] =	vst v63  }
0x128: {  	s21 =	simm.s32 $0x16B00  }
0x129: {  	[tilespmem:s21], [sflag:$0x3] =	stream.indirect_vreg.gather [hbm4b:s11+s3], $0x80, v5, vm0, $0xb8;
	[tilespmem:$0x19B00] =	vst v63  }
0x12a: {  	s22 =	simm.s32 $0x17300  }
0x12b: {  	[tilespmem:s22], [sflag:$0x3] =	stream.indirect_vreg.gather [hbm4b:s12+s3], $0x80, v5, vm0, $0xb8;
	[tilespmem:$0x19B00] =	vst v63  }
0x12c: {  	s21 =	simm.s32 $0x17B00  }
0x12d: {  	[tilespmem:s21], [sflag:$0x3] =	stream.indirect_vreg.gather [hbm4b:s13+s3], $0x80, v5, vm0, $0xb8;
	[tilespmem:$0x19B00] =	vst v63  }
0x12e: {  	s22 =	simm.s32 $0x18300  }
0x12f: {  	[tilespmem:s22], [sflag:$0x3] =	stream.indirect_vreg.gather [hbm4b:s14+s3], $0x80, v5, vm0, $0xb8;
	[tilespmem:$0x19B00] =	vst v63  }
0x130: {  	s21 =	simm.s32 $0x18B00  }
0x131: {  	[tilespmem:s21], [sflag:$0x3] =	stream.indirect_vreg.gather [hbm4b:s16+s3], $0x80, v5, vm0, $0xb8;
	[tilespmem:$0x19B00] =	vst v63  }
0x132: {  	s22 =	simm.s32 $0x19300  }
0x133: {  	[tilespmem:s22], [sflag:$0x3] =	stream.indirect_vreg.gather [hbm4b:s17+s3], $0x80, v5, vm0, $0xb8;
	[tilespmem:$0x19B00] =	vst v63  }
0x134: {  	_ =	swait.ge [sflag:s8], $0x8000  }
0x135: {  	[sflag:s8] =	ssyncset.done $0x0  }
0x136: {  	s7 =	rddreg [dreg:$0x19];
	[sflag:s8] =	ssyncadd.s32 $0xFFFF8000  }
0x137: {  	[hbm4b:s7+s3] =	stream.linear.scatter [tilespmem:s20], [sflag:$0x4], $0x8000, $0x38;
	[tilespmem:$0x19B00] =	vst v63  }
0x138: {  	_ =	swait.ge [sflag:s4], $0x8000  }
0x139: {  	[sflag:s4] =	ssyncset.done $0x0  }
0x13a: {  	[sflag:s4] =	ssyncadd.s32 $0xFFFF8000  }
0x13b: {  	v5 =	vld [tilespmem:$0x1A60];
	_ =	sdelay $0x4  }
0x13c: {  	v6 =	vshll.u32 v5, $0x4  }
0x13d: {  	v5 =	vand.u32 $0x7, v5;
	v6 =	vand.u32 $0xFFFFFF80, v6  }
0x13e: {  	v5 =	vor.u32 v5, v6  }
0x13f: {  	v6 =	vperm.xlane v5, v2;
	_ =	sdelay $0x1  }
0x140: {  	v6 =	vadd.s32 v3, v6;
	_ =	sdelay $0x4  }
0x141: {  	[tilespmem:s20], [sflag:$0x1] =	stream.indirect_vreg.gather [hbm4b:s1+s3], $0x80, v6, vm0, $0xb8;
	[tilespmem:$0x19B00] =	vst v63  }
0x142: {  	s22 =	simm.s32 $0x2300  }
0x143: {  	[tilespmem:s22], [sflag:$0x1] =	stream.indirect_vreg.gather [hbm4b:s10+s3], $0x80, v6, vm0, $0xb8;
	[tilespmem:$0x19B00] =	vst v63  }
0x144: {  	_ = 	snop  }
0x145: {  	[tilespmem:s25], [sflag:$0x1] =	stream.indirect_vreg.gather [hbm4b:s11+s3], $0x80, v6, vm0, $0xb8;
	[tilespmem:$0x19B00] =	vst v63  }
0x146: {  	_ = 	snop  }
0x147: {  	[tilespmem:s26], [sflag:$0x1] =	stream.indirect_vreg.gather [hbm4b:s12+s3], $0x80, v6, vm0, $0xb8;
	[tilespmem:$0x19B00] =	vst v63  }
0x148: {  	s25 =	simm.s32 $0x3B00  }
0x149: {  	[tilespmem:s25], [sflag:$0x1] =	stream.indirect_vreg.gather [hbm4b:s13+s3], $0x80, v6, vm0, $0xb8;
	[tilespmem:$0x19B00] =	vst v63  }
0x14a: {  	v5 =	vperm.xlane v5, v4;
	s26 =	simm.s32 $0x4300  }
0x14b: {  	[tilespmem:s26], [sflag:$0x1] =	stream.indirect_vreg.gather [hbm4b:s14+s3], $0x80, v6, vm0, $0xb8;
	[tilespmem:$0x19B00] =	vst v63  }
0x14c: {  	v5 =	vadd.s32 v3, v5  }
0x14d: {  	[tilespmem:s28], [sflag:$0x1] =	stream.indirect_vreg.gather [hbm4b:s16+s3], $0x80, v6, vm0, $0xb8;
	[tilespmem:$0x19B00] =	vst v63  }
0x14e: {  	_ = 	snop  }
0x14f: {  	[tilespmem:s29], [sflag:$0x1] =	stream.indirect_vreg.gather [hbm4b:s17+s3], $0x80, v6, vm0, $0xb8;
	[tilespmem:$0x19B00] =	vst v63  }
0x150: {  	_ = 	snop  }
0x151: {  	[tilespmem:s30], [sflag:$0x1] =	stream.indirect_vreg.gather [hbm4b:s1+s3], $0x80, v5, vm0, $0xb8;
	[tilespmem:$0x19B00] =	vst v63  }
0x152: {  	_ = 	snop  }
0x153: {  	[tilespmem:s31], [sflag:$0x1] =	stream.indirect_vreg.gather [hbm4b:s10+s3], $0x80, v5, vm0, $0xb8;
	[tilespmem:$0x19B00] =	vst v63  }
0x154: {  	s30 =	simm.s32 $0x6B00  }
0x155: {  	[tilespmem:s30], [sflag:$0x1] =	stream.indirect_vreg.gather [hbm4b:s11+s3], $0x80, v5, vm0, $0xb8;
	[tilespmem:$0x19B00] =	vst v63  }
0x156: {  	s31 =	simm.s32 $0x7300  }
0x157: {  	[tilespmem:s31], [sflag:$0x1] =	stream.indirect_vreg.gather [hbm4b:s12+s3], $0x80, v5, vm0, $0xb8;
	[tilespmem:$0x19B00] =	vst v63  }
0x158: {  	s21 =	simm.s32 $0x7B00  }
0x159: {  	[tilespmem:s21], [sflag:$0x1] =	stream.indirect_vreg.gather [hbm4b:s13+s3], $0x80, v5, vm0, $0xb8;
	[tilespmem:$0x19B00] =	vst v63  }
0x15a: {  	_ = 	snop  }
0x15b: {  	[tilespmem:s5], [sflag:$0x1] =	stream.indirect_vreg.gather [hbm4b:s14+s3], $0x80, v5, vm0, $0xb8;
	[tilespmem:$0x19B00] =	vst v63  }
0x15c: {  	_ = 	snop  }
0x15d: {  	[tilespmem:s23], [sflag:$0x1] =	stream.indirect_vreg.gather [hbm4b:s16+s3], $0x80, v5, vm0, $0xb8;
	[tilespmem:$0x19B00] =	vst v63  }
0x15e: {  	s22 =	simm.s32 $0x9300  }
0x15f: {  	[tilespmem:s22], [sflag:$0x1] =	stream.indirect_vreg.gather [hbm4b:s17+s3], $0x80, v5, vm0, $0xb8;
	[tilespmem:$0x19B00] =	vst v63  }
0x160: {  	_ =	swait.ge [sflag:s9], $0x8000  }
0x161: {  	[sflag:s9] =	ssyncset.done $0x0  }
0x162: {  	s25 =	simm.s32 $0x9B00;
	s23 =	rddreg [dreg:$0x1a];
	[sflag:s9] =	ssyncadd.s32 $0xFFFF8000  }
0x163: {  	[hbm4b:s23+s3] =	stream.linear.scatter [tilespmem:s25], [sflag:$0x5], $0x8000, $0x38;
	[tilespmem:$0x19B00] =	vst v63  }
0x164: {  	_ =	swait.ge [sflag:s18], $0x8000  }
0x165: {  	[sflag:s18] =	ssyncset.done $0x0  }
0x166: {  	[sflag:s18] =	ssyncadd.s32 $0xFFFF8000  }
0x167: {  	v5 =	vld [tilespmem:$0x1A70];
	_ =	sdelay $0x4  }
0x168: {  	v6 =	vshll.u32 v5, $0x4  }
0x169: {  	v5 =	vand.u32 $0x7, v5;
	v6 =	vand.u32 $0xFFFFFF80, v6  }
0x16a: {  	v5 =	vor.u32 v5, v6  }
0x16b: {  	v6 =	vperm.xlane v5, v2;
	_ =	sdelay $0x1  }
0x16c: {  	v6 =	vadd.s32 v3, v6;
	_ =	sdelay $0x4  }
0x16d: {  	[tilespmem:s25], [sflag:$0x2] =	stream.indirect_vreg.gather [hbm4b:s1+s3], $0x80, v6, vm0, $0xb8;
	[tilespmem:$0x19B00] =	vst v63  }
0x16e: {  	s22 =	simm.s32 $0xA300  }
0x16f: {  	[tilespmem:s22], [sflag:$0x2] =	stream.indirect_vreg.gather [hbm4b:s10+s3], $0x80, v6, vm0, $0xb8;
	[tilespmem:$0x19B00] =	vst v63  }
0x170: {  	s26 =	simm.s32 $0xAB00  }
0x171: {  	[tilespmem:s26], [sflag:$0x2] =	stream.indirect_vreg.gather [hbm4b:s11+s3], $0x80, v6, vm0, $0xb8;
	[tilespmem:$0x19B00] =	vst v63  }
0x172: {  	s28 =	simm.s32 $0xB300  }
0x173: {  	[tilespmem:s28], [sflag:$0x2] =	stream.indirect_vreg.gather [hbm4b:s12+s3], $0x80, v6, vm0, $0xb8;
	[tilespmem:$0x19B00] =	vst v63  }
0x174: {  	s29 =	simm.s32 $0xBB00  }
0x175: {  	[tilespmem:s29], [sflag:$0x2] =	stream.indirect_vreg.gather [hbm4b:s13+s3], $0x80, v6, vm0, $0xb8;
	[tilespmem:$0x19B00] =	vst v63  }
0x176: {  	s30 =	simm.s32 $0xC300;
	v5 =	vperm.xlane v5, v4  }
0x177: {  	[tilespmem:s30], [sflag:$0x2] =	stream.indirect_vreg.gather [hbm4b:s14+s3], $0x80, v6, vm0, $0xb8;
	[tilespmem:$0x19B00] =	vst v63  }
0x178: {  	s15 =	simm.s32 $0xCB00;
	v5 =	vadd.s32 v3, v5  }
0x179: {  	[tilespmem:s15], [sflag:$0x2] =	stream.indirect_vreg.gather [hbm4b:s16+s3], $0x80, v6, vm0, $0xb8;
	[tilespmem:$0x19B00] =	vst v63  }
0x17a: {  	s31 =	simm.s32 $0xD300  }
0x17b: {  	[tilespmem:s31], [sflag:$0x2] =	stream.indirect_vreg.gather [hbm4b:s17+s3], $0x80, v6, vm0, $0xb8;
	[tilespmem:$0x19B00] =	vst v63  }
0x17c: {  	s25 =	simm.s32 $0xDB00  }
0x17d: {  	[tilespmem:s25], [sflag:$0x2] =	stream.indirect_vreg.gather [hbm4b:s1+s3], $0x80, v5, vm0, $0xb8;
	[tilespmem:$0x19B00] =	vst v63  }
0x17e: {  	s26 =	simm.s32 $0xE300  }
0x17f: {  	[tilespmem:s26], [sflag:$0x2] =	stream.indirect_vreg.gather [hbm4b:s10+s3], $0x80, v5, vm0, $0xb8;
	[tilespmem:$0x19B00] =	vst v63  }
0x180: {  	s28 =	simm.s32 $0xEB00  }
0x181: {  	[tilespmem:s28], [sflag:$0x2] =	stream.indirect_vreg.gather [hbm4b:s11+s3], $0x80, v5, vm0, $0xb8;
	[tilespmem:$0x19B00] =	vst v63  }
0x182: {  	s29 =	simm.s32 $0xF300  }
0x183: {  	[tilespmem:s29], [sflag:$0x2] =	stream.indirect_vreg.gather [hbm4b:s12+s3], $0x80, v5, vm0, $0xb8;
	[tilespmem:$0x19B00] =	vst v63  }
0x184: {  	s30 =	simm.s32 $0xFB00  }
0x185: {  	[tilespmem:s30], [sflag:$0x2] =	stream.indirect_vreg.gather [hbm4b:s13+s3], $0x80, v5, vm0, $0xb8;
	[tilespmem:$0x19B00] =	vst v63  }
0x186: {  	s31 =	simm.s32 $0x10300  }
0x187: {  	[tilespmem:s31], [sflag:$0x2] =	stream.indirect_vreg.gather [hbm4b:s14+s3], $0x80, v5, vm0, $0xb8;
	[tilespmem:$0x19B00] =	vst v63  }
0x188: {  	s15 =	simm.s32 $0x10B00  }
0x189: {  	[tilespmem:s15], [sflag:$0x2] =	stream.indirect_vreg.gather [hbm4b:s16+s3], $0x80, v5, vm0, $0xb8;
	[tilespmem:$0x19B00] =	vst v63  }
0x18a: {  	s21 =	simm.s32 $0x11300  }
0x18b: {  	[tilespmem:s21], [sflag:$0x2] =	stream.indirect_vreg.gather [hbm4b:s17+s3], $0x80, v5, vm0, $0xb8;
	[tilespmem:$0x19B00] =	vst v63  }
0x18c: {  	_ =	swait.ge [sflag:s19], $0x8000  }
0x18d: {  	[sflag:s19] =	ssyncset.done $0x0  }
0x18e: {  	s7 =	simm.s32 $0x11B00;
	s23 =	rddreg [dreg:$0x1b];
	[sflag:s19] =	ssyncadd.s32 $0xFFFF8000  }
0x18f: {  	[hbm4b:s23+s3] =	stream.linear.scatter [tilespmem:s7], [sflag:$0x6], $0x8000, $0x38;
	[tilespmem:$0x19B00] =	vst v63  }
0x190: {  	_ =	swait.ge [sflag:s0], $0x8000  }
0x191: {  	[sflag:s0] =	ssyncset.done $0x0  }
0x192: {  	[sflag:s0] =	ssyncadd.s32 $0xFFFF8000  }
0x193: {  	v5 =	vld [tilespmem:$0x1A80];
	_ =	sdelay $0x4  }
0x194: {  	v6 =	vshll.u32 v5, $0x4  }
0x195: {  	v5 =	vand.u32 $0x7, v5;
	v6 =	vand.u32 $0xFFFFFF80, v6  }
0x196: {  	v5 =	vor.u32 v5, v6  }
0x197: {  	v6 =	vperm.xlane v5, v2;
	_ =	sdelay $0x1  }
0x198: {  	v6 =	vadd.s32 v3, v6;
	_ =	sdelay $0x4  }
0x199: {  	[tilespmem:s7], [sflag:$0x3] =	stream.indirect_vreg.gather [hbm4b:s1+s3], $0x80, v6, vm0, $0xb8;
	[tilespmem:$0x19B00] =	vst v63  }
0x19a: {  	s23 =	simm.s32 $0x12300  }
0x19b: {  	[tilespmem:s23], [sflag:$0x3] =	stream.indirect_vreg.gather [hbm4b:s10+s3], $0x80, v6, vm0, $0xb8;
	[tilespmem:$0x19B00] =	vst v63  }
0x19c: {  	_ = 	snop  }
0x19d: {  	[tilespmem:s2], [sflag:$0x3] =	stream.indirect_vreg.gather [hbm4b:s11+s3], $0x80, v6, vm0, $0xb8;
	[tilespmem:$0x19B00] =	vst v63  }
0x19e: {  	s15 =	simm.s32 $0x13300  }
0x19f: {  	[tilespmem:s15], [sflag:$0x3] =	stream.indirect_vreg.gather [hbm4b:s12+s3], $0x80, v6, vm0, $0xb8;
	[tilespmem:$0x19B00] =	vst v63  }
0x1a0: {  	s21 =	simm.s32 $0x13B00  }
0x1a1: {  	[tilespmem:s21], [sflag:$0x3] =	stream.indirect_vreg.gather [hbm4b:s13+s3], $0x80, v6, vm0, $0xb8;
	[tilespmem:$0x19B00] =	vst v63  }
0x1a2: {  	v5 =	vperm.xlane v5, v4;
	s15 =	simm.s32 $0x14300  }
0x1a3: {  	[tilespmem:s15], [sflag:$0x3] =	stream.indirect_vreg.gather [hbm4b:s14+s3], $0x80, v6, vm0, $0xb8;
	[tilespmem:$0x19B00] =	vst v63  }
0x1a4: {  	v5 =	vadd.s32 v3, v5;
	s21 =	simm.s32 $0x14B00  }
0x1a5: {  	[tilespmem:s21], [sflag:$0x3] =	stream.indirect_vreg.gather [hbm4b:s16+s3], $0x80, v6, vm0, $0xb8;
	[tilespmem:$0x19B00] =	vst v63  }
0x1a6: {  	s15 =	simm.s32 $0x15300  }
0x1a7: {  	[tilespmem:s15], [sflag:$0x3] =	stream.indirect_vreg.gather [hbm4b:s17+s3], $0x80, v6, vm0, $0xb8;
	[tilespmem:$0x19B00] =	vst v63  }
0x1a8: {  	s21 =	simm.s32 $0x15B00  }
0x1a9: {  	[tilespmem:s21], [sflag:$0x3] =	stream.indirect_vreg.gather [hbm4b:s1+s3], $0x80, v5, vm0, $0xb8;
	[tilespmem:$0x19B00] =	vst v63  }
0x1aa: {  	_ = 	snop  }
0x1ab: {  	[tilespmem:s24], [sflag:$0x3] =	stream.indirect_vreg.gather [hbm4b:s10+s3], $0x80, v5, vm0, $0xb8;
	[tilespmem:$0x19B00] =	vst v63  }
0x1ac: {  	s15 =	simm.s32 $0x16B00  }
0x1ad: {  	[tilespmem:s15], [sflag:$0x3] =	stream.indirect_vreg.gather [hbm4b:s11+s3], $0x80, v5, vm0, $0xb8;
	[tilespmem:$0x19B00] =	vst v63  }
0x1ae: {  	s21 =	simm.s32 $0x17300  }
0x1af: {  	[tilespmem:s21], [sflag:$0x3] =	stream.indirect_vreg.gather [hbm4b:s12+s3], $0x80, v5, vm0, $0xb8;
	[tilespmem:$0x19B00] =	vst v63  }
0x1b0: {  	s24 =	simm.s32 $0x17B00  }
0x1b1: {  	[tilespmem:s24], [sflag:$0x3] =	stream.indirect_vreg.gather [hbm4b:s13+s3], $0x80, v5, vm0, $0xb8;
	[tilespmem:$0x19B00] =	vst v63  }
0x1b2: {  	s15 =	simm.s32 $0x18300  }
0x1b3: {  	[tilespmem:s15], [sflag:$0x3] =	stream.indirect_vreg.gather [hbm4b:s14+s3], $0x80, v5, vm0, $0xb8;
	[tilespmem:$0x19B00] =	vst v63  }
0x1b4: {  	s21 =	simm.s32 $0x18B00  }
0x1b5: {  	[tilespmem:s21], [sflag:$0x3] =	stream.indirect_vreg.gather [hbm4b:s16+s3], $0x80, v5, vm0, $0xb8;
	[tilespmem:$0x19B00] =	vst v63  }
0x1b6: {  	s24 =	simm.s32 $0x19300  }
0x1b7: {  	[tilespmem:s24], [sflag:$0x3] =	stream.indirect_vreg.gather [hbm4b:s17+s3], $0x80, v5, vm0, $0xb8;
	[tilespmem:$0x19B00] =	vst v63  }
0x1b8: {  	_ =	swait.ge [sflag:s8], $0x8000  }
0x1b9: {  	[sflag:s8] =	ssyncset.done $0x0  }
0x1ba: {  	s15 =	rddreg [dreg:$0x14];
	[sflag:s8] =	ssyncadd.s32 $0xFFFF8000  }
0x1bb: {  	[hbm4b:s15+s3] =	stream.linear.scatter [tilespmem:s20], [sflag:$0x4], $0x8000, $0x38;
	[tilespmem:$0x19B00] =	vst v63  }
0x1bc: {  	_ =	swait.ge [sflag:s4], $0x8000  }
0x1bd: {  	[sflag:s4] =	ssyncset.done $0x0  }
0x1be: {  	[sflag:s4] =	ssyncadd.s32 $0xFFFF8000  }
0x1bf: {  	v5 =	vld [tilespmem:$0x1A90];
	_ =	sdelay $0x4  }
0x1c0: {  	v6 =	vshll.u32 v5, $0x4  }
0x1c1: {  	v5 =	vand.u32 $0x7, v5;
	v6 =	vand.u32 $0xFFFFFF80, v6  }
0x1c2: {  	v5 =	vor.u32 v5, v6  }
0x1c3: {  	v6 =	vperm.xlane v5, v2;
	_ =	sdelay $0x1  }
0x1c4: {  	v6 =	vadd.s32 v3, v6;
	_ =	sdelay $0x4  }
0x1c5: {  	[tilespmem:s20], [sflag:$0x1] =	stream.indirect_vreg.gather [hbm4b:s1+s3], $0x80, v6, vm0, $0xb8;
	[tilespmem:$0x19B00] =	vst v63  }
0x1c6: {  	s2 =	simm.s32 $0x2300  }
0x1c7: {  	[tilespmem:s2], [sflag:$0x1] =	stream.indirect_vreg.gather [hbm4b:s10+s3], $0x80, v6, vm0, $0xb8;
	[tilespmem:$0x19B00] =	vst v63  }
0x1c8: {  	s21 =	simm.s32 $0x2B00  }
0x1c9: {  	[tilespmem:s21], [sflag:$0x1] =	stream.indirect_vreg.gather [hbm4b:s11+s3], $0x80, v6, vm0, $0xb8;
	[tilespmem:$0x19B00] =	vst v63  }
0x1ca: {  	s15 =	simm.s32 $0x3300  }
0x1cb: {  	[tilespmem:s15], [sflag:$0x1] =	stream.indirect_vreg.gather [hbm4b:s12+s3], $0x80, v6, vm0, $0xb8;
	[tilespmem:$0x19B00] =	vst v63  }
0x1cc: {  	s24 =	simm.s32 $0x3B00  }
0x1cd: {  	[tilespmem:s24], [sflag:$0x1] =	stream.indirect_vreg.gather [hbm4b:s13+s3], $0x80, v6, vm0, $0xb8;
	[tilespmem:$0x19B00] =	vst v63  }
0x1ce: {  	v5 =	vperm.xlane v5, v4;
	s24 =	simm.s32 $0x4300  }
0x1cf: {  	[tilespmem:s24], [sflag:$0x1] =	stream.indirect_vreg.gather [hbm4b:s14+s3], $0x80, v6, vm0, $0xb8;
	[tilespmem:$0x19B00] =	vst v63  }
0x1d0: {  	v5 =	vadd.s32 v3, v5;
	s24 =	simm.s32 $0x4B00  }
0x1d1: {  	[tilespmem:s24], [sflag:$0x1] =	stream.indirect_vreg.gather [hbm4b:s16+s3], $0x80, v6, vm0, $0xb8;
	[tilespmem:$0x19B00] =	vst v63  }
0x1d2: {  	s24 =	simm.s32 $0x5300  }
0x1d3: {  	[tilespmem:s24], [sflag:$0x1] =	stream.indirect_vreg.gather [hbm4b:s17+s3], $0x80, v6, vm0, $0xb8;
	[tilespmem:$0x19B00] =	vst v63  }
0x1d4: {  	s21 =	simm.s32 $0x5B00  }
0x1d5: {  	[tilespmem:s21], [sflag:$0x1] =	stream.indirect_vreg.gather [hbm4b:s1+s3], $0x80, v5, vm0, $0xb8;
	[tilespmem:$0x19B00] =	vst v63  }
0x1d6: {  	s21 =	simm.s32 $0x6300  }
0x1d7: {  	[tilespmem:s21], [sflag:$0x1] =	stream.indirect_vreg.gather [hbm4b:s10+s3], $0x80, v5, vm0, $0xb8;
	[tilespmem:$0x19B00] =	vst v63  }
0x1d8: {  	s21 =	simm.s32 $0x6B00  }
0x1d9: {  	[tilespmem:s21], [sflag:$0x1] =	stream.indirect_vreg.gather [hbm4b:s11+s3], $0x80, v5, vm0, $0xb8;
	[tilespmem:$0x19B00] =	vst v63  }
0x1da: {  	s21 =	simm.s32 $0x7300  }
0x1db: {  	[tilespmem:s21], [sflag:$0x1] =	stream.indirect_vreg.gather [hbm4b:s12+s3], $0x80, v5, vm0, $0xb8;
	[tilespmem:$0x19B00] =	vst v63  }
0x1dc: {  	s21 =	simm.s32 $0x7B00  }
0x1dd: {  	[tilespmem:s21], [sflag:$0x1] =	stream.indirect_vreg.gather [hbm4b:s13+s3], $0x80, v5, vm0, $0xb8;
	[tilespmem:$0x19B00] =	vst v63  }
0x1de: {  	s21 =	simm.s32 $0x8300  }
0x1df: {  	[tilespmem:s21], [sflag:$0x1] =	stream.indirect_vreg.gather [hbm4b:s14+s3], $0x80, v5, vm0, $0xb8;
	[tilespmem:$0x19B00] =	vst v63  }
0x1e0: {  	s21 =	simm.s32 $0x8B00  }
0x1e1: {  	[tilespmem:s21], [sflag:$0x1] =	stream.indirect_vreg.gather [hbm4b:s16+s3], $0x80, v5, vm0, $0xb8;
	[tilespmem:$0x19B00] =	vst v63  }
0x1e2: {  	s21 =	simm.s32 $0x9300  }
0x1e3: {  	[tilespmem:s21], [sflag:$0x1] =	stream.indirect_vreg.gather [hbm4b:s17+s3], $0x80, v5, vm0, $0xb8;
	[tilespmem:$0x19B00] =	vst v63  }
0x1e4: {  	_ =	swait.ge [sflag:s9], $0x8000  }
0x1e5: {  	[sflag:s9] =	ssyncset.done $0x0  }
0x1e6: {  	s5 =	simm.s32 $0x9B00;
	s21 =	rddreg [dreg:$0xa];
	[sflag:s9] =	ssyncadd.s32 $0xFFFF8000  }
0x1e7: {  	[hbm4b:s21+s3] =	stream.linear.scatter [tilespmem:s5], [sflag:$0x5], $0x8000, $0x38;
	[tilespmem:$0x19B00] =	vst v63  }
0x1e8: {  	_ =	swait.ge [sflag:s18], $0x8000  }
0x1e9: {  	[sflag:s18] =	ssyncset.done $0x0  }
0x1ea: {  	[sflag:s18] =	ssyncadd.s32 $0xFFFF8000  }
0x1eb: {  	v5 =	vld [tilespmem:$0x1AA0];
	_ =	sdelay $0x4  }
0x1ec: {  	v6 =	vshll.u32 v5, $0x4  }
0x1ed: {  	v5 =	vand.u32 $0x7, v5;
	v6 =	vand.u32 $0xFFFFFF80, v6  }
0x1ee: {  	v5 =	vor.u32 v5, v6  }
0x1ef: {  	v6 =	vperm.xlane v5, v2;
	_ =	sdelay $0x1  }
0x1f0: {  	v6 =	vadd.s32 v3, v6;
	_ =	sdelay $0x4  }
0x1f1: {  	[tilespmem:s5], [sflag:$0x2] =	stream.indirect_vreg.gather [hbm4b:s1+s3], $0x80, v6, vm0, $0xb8;
	[tilespmem:$0x19B00] =	vst v63  }
0x1f2: {  	_ = 	snop  }
0x1f3: {  	[tilespmem:s22], [sflag:$0x2] =	stream.indirect_vreg.gather [hbm4b:s10+s3], $0x80, v6, vm0, $0xb8;
	[tilespmem:$0x19B00] =	vst v63  }
0x1f4: {  	s22 =	simm.s32 $0xAB00  }
0x1f5: {  	[tilespmem:s22], [sflag:$0x2] =	stream.indirect_vreg.gather [hbm4b:s11+s3], $0x80, v6, vm0, $0xb8;
	[tilespmem:$0x19B00] =	vst v63  }
0x1f6: {  	s22 =	simm.s32 $0xB300  }
0x1f7: {  	[tilespmem:s22], [sflag:$0x2] =	stream.indirect_vreg.gather [hbm4b:s12+s3], $0x80, v6, vm0, $0xb8;
	[tilespmem:$0x19B00] =	vst v63  }
0x1f8: {  	s22 =	simm.s32 $0xBB00  }
0x1f9: {  	[tilespmem:s22], [sflag:$0x2] =	stream.indirect_vreg.gather [hbm4b:s13+s3], $0x80, v6, vm0, $0xb8;
	[tilespmem:$0x19B00] =	vst v63  }
0x1fa: {  	v5 =	vperm.xlane v5, v4;
	s22 =	simm.s32 $0xC300  }
0x1fb: {  	[tilespmem:s22], [sflag:$0x2] =	stream.indirect_vreg.gather [hbm4b:s14+s3], $0x80, v6, vm0, $0xb8;
	[tilespmem:$0x19B00] =	vst v63  }
0x1fc: {  	v5 =	vadd.s32 v3, v5;
	s22 =	simm.s32 $0xCB00  }
0x1fd: {  	[tilespmem:s22], [sflag:$0x2] =	stream.indirect_vreg.gather [hbm4b:s16+s3], $0x80, v6, vm0, $0xb8;
	[tilespmem:$0x19B00] =	vst v63  }
0x1fe: {  	s22 =	simm.s32 $0xD300  }
0x1ff: {  	[tilespmem:s22], [sflag:$0x2] =	stream.indirect_vreg.gather [hbm4b:s17+s3], $0x80, v6, vm0, $0xb8;
	[tilespmem:$0x19B00] =	vst v63  }
0x200: {  	_ = 	snop  }
0x201: {  	[tilespmem:s25], [sflag:$0x2] =	stream.indirect_vreg.gather [hbm4b:s1+s3], $0x80, v5, vm0, $0xb8;
	[tilespmem:$0x19B00] =	vst v63  }
0x202: {  	_ = 	snop  }
0x203: {  	[tilespmem:s26], [sflag:$0x2] =	stream.indirect_vreg.gather [hbm4b:s10+s3], $0x80, v5, vm0, $0xb8;
	[tilespmem:$0x19B00] =	vst v63  }
0x204: {  	_ = 	snop  }
0x205: {  	[tilespmem:s28], [sflag:$0x2] =	stream.indirect_vreg.gather [hbm4b:s11+s3], $0x80, v5, vm0, $0xb8;
	[tilespmem:$0x19B00] =	vst v63  }
0x206: {  	_ = 	snop  }
0x207: {  	[tilespmem:s29], [sflag:$0x2] =	stream.indirect_vreg.gather [hbm4b:s12+s3], $0x80, v5, vm0, $0xb8;
	[tilespmem:$0x19B00] =	vst v63  }
0x208: {  	_ = 	snop  }
0x209: {  	[tilespmem:s30], [sflag:$0x2] =	stream.indirect_vreg.gather [hbm4b:s13+s3], $0x80, v5, vm0, $0xb8;
	[tilespmem:$0x19B00] =	vst v63  }
0x20a: {  	_ = 	snop  }
0x20b: {  	[tilespmem:s31], [sflag:$0x2] =	stream.indirect_vreg.gather [hbm4b:s14+s3], $0x80, v5, vm0, $0xb8;
	[tilespmem:$0x19B00] =	vst v63  }
0x20c: {  	s22 =	simm.s32 $0x10B00  }
0x20d: {  	[tilespmem:s22], [sflag:$0x2] =	stream.indirect_vreg.gather [hbm4b:s16+s3], $0x80, v5, vm0, $0xb8;
	[tilespmem:$0x19B00] =	vst v63  }
0x20e: {  	s22 =	simm.s32 $0x11300  }
0x20f: {  	[tilespmem:s22], [sflag:$0x2] =	stream.indirect_vreg.gather [hbm4b:s17+s3], $0x80, v5, vm0, $0xb8;
	[tilespmem:$0x19B00] =	vst v63  }
0x210: {  	_ =	swait.ge [sflag:s19], $0x8000  }
0x211: {  	[sflag:s19] =	ssyncset.done $0x0  }
0x212: {  	s7 =	simm.s32 $0x11B00;
	s22 =	rddreg [dreg:$0xc];
	[sflag:s19] =	ssyncadd.s32 $0xFFFF8000  }
0x213: {  	[hbm4b:s22+s3] =	stream.linear.scatter [tilespmem:s7], [sflag:$0x6], $0x8000, $0x38;
	[tilespmem:$0x19B00] =	vst v63  }
0x214: {  	_ =	swait.ge [sflag:s0], $0x8000  }
0x215: {  	[sflag:s0] =	ssyncset.done $0x0  }
0x216: {  	[sflag:s0] =	ssyncadd.s32 $0xFFFF8000  }
0x217: {  	v5 =	vld [tilespmem:$0x1AB0];
	_ =	sdelay $0x4  }
0x218: {  	v6 =	vshll.u32 v5, $0x4  }
0x219: {  	v5 =	vand.u32 $0x7, v5;
	v6 =	vand.u32 $0xFFFFFF80, v6  }
0x21a: {  	v5 =	vor.u32 v5, v6  }
0x21b: {  	v6 =	vperm.xlane v5, v2;
	_ =	sdelay $0x1  }
0x21c: {  	v6 =	vadd.s32 v3, v6;
	_ =	sdelay $0x4  }
0x21d: {  	[tilespmem:s7], [sflag:$0x3] =	stream.indirect_vreg.gather [hbm4b:s1+s3], $0x80, v6, vm0, $0xb8;
	[tilespmem:$0x19B00] =	vst v63  }
0x21e: {  	_ = 	snop  }
0x21f: {  	[tilespmem:s23], [sflag:$0x3] =	stream.indirect_vreg.gather [hbm4b:s10+s3], $0x80, v6, vm0, $0xb8;
	[tilespmem:$0x19B00] =	vst v63  }
0x220: {  	s21 =	simm.s32 $0x12B00  }
0x221: {  	[tilespmem:s21], [sflag:$0x3] =	stream.indirect_vreg.gather [hbm4b:s11+s3], $0x80, v6, vm0, $0xb8;
	[tilespmem:$0x19B00] =	vst v63  }
0x222: {  	s22 =	simm.s32 $0x13300  }
0x223: {  	[tilespmem:s22], [sflag:$0x3] =	stream.indirect_vreg.gather [hbm4b:s12+s3], $0x80, v6, vm0, $0xb8;
	[tilespmem:$0x19B00] =	vst v63  }
0x224: {  	s23 =	simm.s32 $0x13B00  }
0x225: {  	[tilespmem:s23], [sflag:$0x3] =	stream.indirect_vreg.gather [hbm4b:s13+s3], $0x80, v6, vm0, $0xb8;
	[tilespmem:$0x19B00] =	vst v63  }
0x226: {  	v5 =	vperm.xlane v5, v4;
	s7 =	simm.s32 $0x14300  }
0x227: {  	[tilespmem:s7], [sflag:$0x3] =	stream.indirect_vreg.gather [hbm4b:s14+s3], $0x80, v6, vm0, $0xb8;
	[tilespmem:$0x19B00] =	vst v63  }
0x228: {  	v5 =	vadd.s32 v3, v5;
	s21 =	simm.s32 $0x14B00  }
0x229: {  	[tilespmem:s21], [sflag:$0x3] =	stream.indirect_vreg.gather [hbm4b:s16+s3], $0x80, v6, vm0, $0xb8;
	[tilespmem:$0x19B00] =	vst v63  }
0x22a: {  	s22 =	simm.s32 $0x15300  }
0x22b: {  	[tilespmem:s22], [sflag:$0x3] =	stream.indirect_vreg.gather [hbm4b:s17+s3], $0x80, v6, vm0, $0xb8;
	[tilespmem:$0x19B00] =	vst v63  }
0x22c: {  	s23 =	simm.s32 $0x15B00  }
0x22d: {  	[tilespmem:s23], [sflag:$0x3] =	stream.indirect_vreg.gather [hbm4b:s1+s3], $0x80, v5, vm0, $0xb8;
	[tilespmem:$0x19B00] =	vst v63  }
0x22e: {  	s21 =	simm.s32 $0x16300  }
0x22f: {  	[tilespmem:s21], [sflag:$0x3] =	stream.indirect_vreg.gather [hbm4b:s10+s3], $0x80, v5, vm0, $0xb8;
	[tilespmem:$0x19B00] =	vst v63  }
0x230: {  	s22 =	simm.s32 $0x16B00  }
0x231: {  	[tilespmem:s22], [sflag:$0x3] =	stream.indirect_vreg.gather [hbm4b:s11+s3], $0x80, v5, vm0, $0xb8;
	[tilespmem:$0x19B00] =	vst v63  }
0x232: {  	s23 =	simm.s32 $0x17300  }
0x233: {  	[tilespmem:s23], [sflag:$0x3] =	stream.indirect_vreg.gather [hbm4b:s12+s3], $0x80, v5, vm0, $0xb8;
	[tilespmem:$0x19B00] =	vst v63  }
0x234: {  	s21 =	simm.s32 $0x17B00  }
0x235: {  	[tilespmem:s21], [sflag:$0x3] =	stream.indirect_vreg.gather [hbm4b:s13+s3], $0x80, v5, vm0, $0xb8;
	[tilespmem:$0x19B00] =	vst v63  }
0x236: {  	s22 =	simm.s32 $0x18300  }
0x237: {  	[tilespmem:s22], [sflag:$0x3] =	stream.indirect_vreg.gather [hbm4b:s14+s3], $0x80, v5, vm0, $0xb8;
	[tilespmem:$0x19B00] =	vst v63  }
0x238: {  	s23 =	simm.s32 $0x18B00  }
0x239: {  	[tilespmem:s23], [sflag:$0x3] =	stream.indirect_vreg.gather [hbm4b:s16+s3], $0x80, v5, vm0, $0xb8;
	[tilespmem:$0x19B00] =	vst v63  }
0x23a: {  	s21 =	simm.s32 $0x19300  }
0x23b: {  	[tilespmem:s21], [sflag:$0x3] =	stream.indirect_vreg.gather [hbm4b:s17+s3], $0x80, v5, vm0, $0xb8;
	[tilespmem:$0x19B00] =	vst v63  }
0x23c: {  	_ =	swait.ge [sflag:s8], $0x8000  }
0x23d: {  	[sflag:s8] =	ssyncset.done $0x0  }
0x23e: {  	s22 =	rddreg [dreg:$0xd];
	[sflag:s8] =	ssyncadd.s32 $0xFFFF8000  }
0x23f: {  	[hbm4b:s22+s3] =	stream.linear.scatter [tilespmem:s20], [sflag:$0x4], $0x8000, $0x38;
	[tilespmem:$0x19B00] =	vst v63  }
0x240: {  	_ =	swait.ge [sflag:s4], $0x8000  }
0x241: {  	[sflag:s4] =	ssyncset.done $0x0  }
0x242: {  	[sflag:s4] =	ssyncadd.s32 $0xFFFF8000  }
0x243: {  	v5 =	vld [tilespmem:$0x1AC0];
	_ =	sdelay $0x4  }
0x244: {  	v6 =	vshll.u32 v5, $0x4  }
0x245: {  	v5 =	vand.u32 $0x7, v5;
	v6 =	vand.u32 $0xFFFFFF80, v6  }
0x246: {  	v5 =	vor.u32 v5, v6  }
0x247: {  	v6 =	vperm.xlane v5, v2;
	_ =	sdelay $0x1  }
0x248: {  	v6 =	vadd.s32 v3, v6;
	_ =	sdelay $0x4  }
0x249: {  	[tilespmem:s20], [sflag:$0x1] =	stream.indirect_vreg.gather [hbm4b:s1+s3], $0x80, v6, vm0, $0xb8;
	[tilespmem:$0x19B00] =	vst v63  }
0x24a: {  	_ = 	snop  }
0x24b: {  	[tilespmem:s2], [sflag:$0x1] =	stream.indirect_vreg.gather [hbm4b:s10+s3], $0x80, v6, vm0, $0xb8;
	[tilespmem:$0x19B00] =	vst v63  }
0x24c: {  	s23 =	simm.s32 $0x2B00  }
0x24d: {  	[tilespmem:s23], [sflag:$0x1] =	stream.indirect_vreg.gather [hbm4b:s11+s3], $0x80, v6, vm0, $0xb8;
	[tilespmem:$0x19B00] =	vst v63  }
0x24e: {  	_ = 	snop  }
0x24f: {  	[tilespmem:s15], [sflag:$0x1] =	stream.indirect_vreg.gather [hbm4b:s12+s3], $0x80, v6, vm0, $0xb8;
	[tilespmem:$0x19B00] =	vst v63  }
0x250: {  	s2 =	simm.s32 $0x3B00  }
0x251: {  	[tilespmem:s2], [sflag:$0x1] =	stream.indirect_vreg.gather [hbm4b:s13+s3], $0x80, v6, vm0, $0xb8;
	[tilespmem:$0x19B00] =	vst v63  }
0x252: {  	s22 =	simm.s32 $0x4300;
	v5 =	vperm.xlane v5, v4  }
0x253: {  	[tilespmem:s22], [sflag:$0x1] =	stream.indirect_vreg.gather [hbm4b:s14+s3], $0x80, v6, vm0, $0xb8;
	[tilespmem:$0x19B00] =	vst v63  }
0x254: {  	v5 =	vadd.s32 v3, v5;
	s23 =	simm.s32 $0x4B00  }
0x255: {  	[tilespmem:s23], [sflag:$0x1] =	stream.indirect_vreg.gather [hbm4b:s16+s3], $0x80, v6, vm0, $0xb8;
	[tilespmem:$0x19B00] =	vst v63  }
0x256: {  	_ = 	snop  }
0x257: {  	[tilespmem:s24], [sflag:$0x1] =	stream.indirect_vreg.gather [hbm4b:s17+s3], $0x80, v6, vm0, $0xb8;
	[tilespmem:$0x19B00] =	vst v63  }
0x258: {  	s24 =	simm.s32 $0x5B00  }
0x259: {  	[tilespmem:s24], [sflag:$0x1] =	stream.indirect_vreg.gather [hbm4b:s1+s3], $0x80, v5, vm0, $0xb8;
	[tilespmem:$0x19B00] =	vst v63  }
0x25a: {  	s2 =	simm.s32 $0x6300  }
0x25b: {  	[tilespmem:s2], [sflag:$0x1] =	stream.indirect_vreg.gather [hbm4b:s10+s3], $0x80, v5, vm0, $0xb8;
	[tilespmem:$0x19B00] =	vst v63  }
0x25c: {  	s23 =	simm.s32 $0x6B00  }
0x25d: {  	[tilespmem:s23], [sflag:$0x1] =	stream.indirect_vreg.gather [hbm4b:s11+s3], $0x80, v5, vm0, $0xb8;
	[tilespmem:$0x19B00] =	vst v63  }
0x25e: {  	s24 =	simm.s32 $0x7300  }
0x25f: {  	[tilespmem:s24], [sflag:$0x1] =	stream.indirect_vreg.gather [hbm4b:s12+s3], $0x80, v5, vm0, $0xb8;
	[tilespmem:$0x19B00] =	vst v63  }
0x260: {  	s2 =	simm.s32 $0x7B00  }
0x261: {  	[tilespmem:s2], [sflag:$0x1] =	stream.indirect_vreg.gather [hbm4b:s13+s3], $0x80, v5, vm0, $0xb8;
	[tilespmem:$0x19B00] =	vst v63  }
0x262: {  	s23 =	simm.s32 $0x8300  }
0x263: {  	[tilespmem:s23], [sflag:$0x1] =	stream.indirect_vreg.gather [hbm4b:s14+s3], $0x80, v5, vm0, $0xb8;
	[tilespmem:$0x19B00] =	vst v63  }
0x264: {  	s24 =	simm.s32 $0x8B00  }
0x265: {  	[tilespmem:s24], [sflag:$0x1] =	stream.indirect_vreg.gather [hbm4b:s16+s3], $0x80, v5, vm0, $0xb8;
	[tilespmem:$0x19B00] =	vst v63  }
0x266: {  	s2 =	simm.s32 $0x9300  }
0x267: {  	[tilespmem:s2], [sflag:$0x1] =	stream.indirect_vreg.gather [hbm4b:s17+s3], $0x80, v5, vm0, $0xb8;
	[tilespmem:$0x19B00] =	vst v63  }
0x268: {  	_ =	swait.ge [sflag:s9], $0x8000  }
0x269: {  	[sflag:s9] =	ssyncset.done $0x0  }
0x26a: {  	s24 =	simm.s32 $0x9B00;
	s23 =	rddreg [dreg:$0xe];
	[sflag:s9] =	ssyncadd.s32 $0xFFFF8000  }
0x26b: {  	[hbm4b:s23+s3] =	stream.linear.scatter [tilespmem:s24], [sflag:$0x5], $0x8000, $0x38;
	[tilespmem:$0x19B00] =	vst v63  }
0x26c: {  	_ =	swait.ge [sflag:s18], $0x8000  }
0x26d: {  	[sflag:s18] =	ssyncset.done $0x0  }
0x26e: {  	[sflag:s18] =	ssyncadd.s32 $0xFFFF8000  }
0x26f: {  	v5 =	vld [tilespmem:$0x1AD0];
	_ =	sdelay $0x4  }
0x270: {  	v6 =	vshll.u32 v5, $0x4  }
0x271: {  	v5 =	vand.u32 $0x7, v5;
	v6 =	vand.u32 $0xFFFFFF80, v6  }
0x272: {  	v5 =	vor.u32 v5, v6  }
0x273: {  	v6 =	vperm.xlane v5, v2;
	_ =	sdelay $0x1  }
0x274: {  	v6 =	vadd.s32 v3, v6;
	_ =	sdelay $0x4  }
0x275: {  	[tilespmem:s24], [sflag:$0x2] =	stream.indirect_vreg.gather [hbm4b:s1+s3], $0x80, v6, vm0, $0xb8;
	[tilespmem:$0x19B00] =	vst v63  }
0x276: {  	s5 =	simm.s32 $0xA300  }
0x277: {  	[tilespmem:s5], [sflag:$0x2] =	stream.indirect_vreg.gather [hbm4b:s10+s3], $0x80, v6, vm0, $0xb8;
	[tilespmem:$0x19B00] =	vst v63  }
0x278: {  	s23 =	simm.s32 $0xAB00  }
0x279: {  	[tilespmem:s23], [sflag:$0x2] =	stream.indirect_vreg.gather [hbm4b:s11+s3], $0x80, v6, vm0, $0xb8;
	[tilespmem:$0x19B00] =	vst v63  }
0x27a: {  	s24 =	simm.s32 $0xB300  }
0x27b: {  	[tilespmem:s24], [sflag:$0x2] =	stream.indirect_vreg.gather [hbm4b:s12+s3], $0x80, v6, vm0, $0xb8;
	[tilespmem:$0x19B00] =	vst v63  }
0x27c: {  	s23 =	simm.s32 $0xBB00  }
0x27d: {  	[tilespmem:s23], [sflag:$0x2] =	stream.indirect_vreg.gather [hbm4b:s13+s3], $0x80, v6, vm0, $0xb8;
	[tilespmem:$0x19B00] =	vst v63  }
0x27e: {  	v5 =	vperm.xlane v5, v4;
	s24 =	simm.s32 $0xC300  }
0x27f: {  	[tilespmem:s24], [sflag:$0x2] =	stream.indirect_vreg.gather [hbm4b:s14+s3], $0x80, v6, vm0, $0xb8;
	[tilespmem:$0x19B00] =	vst v63  }
0x280: {  	v5 =	vadd.s32 v3, v5;
	s23 =	simm.s32 $0xCB00  }
0x281: {  	[tilespmem:s23], [sflag:$0x2] =	stream.indirect_vreg.gather [hbm4b:s16+s3], $0x80, v6, vm0, $0xb8;
	[tilespmem:$0x19B00] =	vst v63  }
0x282: {  	s23 =	simm.s32 $0xD300  }
0x283: {  	[tilespmem:s23], [sflag:$0x2] =	stream.indirect_vreg.gather [hbm4b:s17+s3], $0x80, v6, vm0, $0xb8;
	[tilespmem:$0x19B00] =	vst v63  }
0x284: {  	s25 =	simm.s32 $0xDB00  }
0x285: {  	[tilespmem:s25], [sflag:$0x2] =	stream.indirect_vreg.gather [hbm4b:s1+s3], $0x80, v5, vm0, $0xb8;
	[tilespmem:$0x19B00] =	vst v63  }
0x286: {  	s26 =	simm.s32 $0xE300  }
0x287: {  	[tilespmem:s26], [sflag:$0x2] =	stream.indirect_vreg.gather [hbm4b:s10+s3], $0x80, v5, vm0, $0xb8;
	[tilespmem:$0x19B00] =	vst v63  }
0x288: {  	s28 =	simm.s32 $0xEB00  }
0x289: {  	[tilespmem:s28], [sflag:$0x2] =	stream.indirect_vreg.gather [hbm4b:s11+s3], $0x80, v5, vm0, $0xb8;
	[tilespmem:$0x19B00] =	vst v63  }
0x28a: {  	s29 =	simm.s32 $0xF300  }
0x28b: {  	[tilespmem:s29], [sflag:$0x2] =	stream.indirect_vreg.gather [hbm4b:s12+s3], $0x80, v5, vm0, $0xb8;
	[tilespmem:$0x19B00] =	vst v63  }
0x28c: {  	s30 =	simm.s32 $0xFB00  }
0x28d: {  	[tilespmem:s30], [sflag:$0x2] =	stream.indirect_vreg.gather [hbm4b:s13+s3], $0x80, v5, vm0, $0xb8;
	[tilespmem:$0x19B00] =	vst v63  }
0x28e: {  	s31 =	simm.s32 $0x10300  }
0x28f: {  	[tilespmem:s31], [sflag:$0x2] =	stream.indirect_vreg.gather [hbm4b:s14+s3], $0x80, v5, vm0, $0xb8;
	[tilespmem:$0x19B00] =	vst v63  }
0x290: {  	s30 =	simm.s32 $0x10B00  }
0x291: {  	[tilespmem:s30], [sflag:$0x2] =	stream.indirect_vreg.gather [hbm4b:s16+s3], $0x80, v5, vm0, $0xb8;
	[tilespmem:$0x19B00] =	vst v63  }
0x292: {  	s5 =	rddreg [dreg:$0xb];
	s31 =	simm.s32 $0x11300  }
0x293: {  	[tilespmem:s31], [sflag:$0x2] =	stream.indirect_vreg.gather [hbm4b:s17+s3], $0x80, v5, vm0, $0xb8;
	[tilespmem:$0x19B00] =	vst v63  }
0x294: {  	s24 =	rddreg [dreg:$0x15];
	_ =	swait.ge [sflag:s19], $0x8000  }
0x295: {  	[sflag:s19] =	ssyncset.done $0x0  }
0x296: {  	s25 =	simm.s32 $0x11B00;
	s23 =	rddreg [dreg:$0xf];
	[sflag:s19] =	ssyncadd.s32 $0xFFFF8000  }
0x297: {  	[hbm4b:s23+s3] =	stream.linear.scatter [tilespmem:s25], [sflag:$0x6], $0x8000, $0x38;
	[tilespmem:$0x19B00] =	vst v63  }
0x298: {  	_ =	swait.ge [sflag:s0], $0x8000  }
0x299: {  	[sflag:s0] =	ssyncset.done $0x0  }
0x29a: {  	[sflag:s0] =	ssyncadd.s32 $0xFFFF8000  }
0x29b: {  	v5 =	vld [tilespmem:$0x1AE0];
	_ =	sdelay $0x4  }
0x29c: {  	v6 =	vshll.u32 v5, $0x4  }
0x29d: {  	v5 =	vand.u32 $0x7, v5;
	v6 =	vand.u32 $0xFFFFFF80, v6  }
0x29e: {  	v5 =	vor.u32 v5, v6  }
0x29f: {  	v6 =	vperm.xlane v5, v2;
	_ =	sdelay $0x1  }
0x2a0: {  	v6 =	vadd.s32 v3, v6;
	_ =	sdelay $0x4  }
0x2a1: {  	[tilespmem:s25], [sflag:$0x3] =	stream.indirect_vreg.gather [hbm4b:s1+s3], $0x80, v6, vm0, $0xb8;
	[tilespmem:$0x19B00] =	vst v63  }
0x2a2: {  	s26 =	simm.s32 $0x12300  }
0x2a3: {  	[tilespmem:s26], [sflag:$0x3] =	stream.indirect_vreg.gather [hbm4b:s10+s3], $0x80, v6, vm0, $0xb8;
	[tilespmem:$0x19B00] =	vst v63  }
0x2a4: {  	s28 =	simm.s32 $0x12B00  }
0x2a5: {  	[tilespmem:s28], [sflag:$0x3] =	stream.indirect_vreg.gather [hbm4b:s11+s3], $0x80, v6, vm0, $0xb8;
	[tilespmem:$0x19B00] =	vst v63  }
0x2a6: {  	s29 =	simm.s32 $0x13300  }
0x2a7: {  	[tilespmem:s29], [sflag:$0x3] =	stream.indirect_vreg.gather [hbm4b:s12+s3], $0x80, v6, vm0, $0xb8;
	[tilespmem:$0x19B00] =	vst v63  }
0x2a8: {  	s30 =	simm.s32 $0x13B00  }
0x2a9: {  	[tilespmem:s30], [sflag:$0x3] =	stream.indirect_vreg.gather [hbm4b:s13+s3], $0x80, v6, vm0, $0xb8;
	[tilespmem:$0x19B00] =	vst v63  }
0x2aa: {  	s31 =	simm.s32 $0x14300;
	v5 =	vperm.xlane v5, v4  }
0x2ab: {  	[tilespmem:s31], [sflag:$0x3] =	stream.indirect_vreg.gather [hbm4b:s14+s3], $0x80, v6, vm0, $0xb8;
	[tilespmem:$0x19B00] =	vst v63  }
0x2ac: {  	v5 =	vadd.s32 v3, v5;
	s25 =	simm.s32 $0x14B00  }
0x2ad: {  	[tilespmem:s25], [sflag:$0x3] =	stream.indirect_vreg.gather [hbm4b:s16+s3], $0x80, v6, vm0, $0xb8;
	[tilespmem:$0x19B00] =	vst v63  }
0x2ae: {  	s26 =	simm.s32 $0x15300  }
0x2af: {  	[tilespmem:s26], [sflag:$0x3] =	stream.indirect_vreg.gather [hbm4b:s17+s3], $0x80, v6, vm0, $0xb8;
	[tilespmem:$0x19B00] =	vst v63  }
0x2b0: {  	s28 =	simm.s32 $0x15B00  }
0x2b1: {  	[tilespmem:s28], [sflag:$0x3] =	stream.indirect_vreg.gather [hbm4b:s1+s3], $0x80, v5, vm0, $0xb8;
	[tilespmem:$0x19B00] =	vst v63  }
0x2b2: {  	s29 =	simm.s32 $0x16300  }
0x2b3: {  	[tilespmem:s29], [sflag:$0x3] =	stream.indirect_vreg.gather [hbm4b:s10+s3], $0x80, v5, vm0, $0xb8;
	[tilespmem:$0x19B00] =	vst v63  }
0x2b4: {  	s30 =	simm.s32 $0x16B00  }
0x2b5: {  	[tilespmem:s30], [sflag:$0x3] =	stream.indirect_vreg.gather [hbm4b:s11+s3], $0x80, v5, vm0, $0xb8;
	[tilespmem:$0x19B00] =	vst v63  }
0x2b6: {  	s31 =	simm.s32 $0x17300  }
0x2b7: {  	[tilespmem:s31], [sflag:$0x3] =	stream.indirect_vreg.gather [hbm4b:s12+s3], $0x80, v5, vm0, $0xb8;
	[tilespmem:$0x19B00] =	vst v63  }
0x2b8: {  	s25 =	simm.s32 $0x17B00  }
0x2b9: {  	[tilespmem:s25], [sflag:$0x3] =	stream.indirect_vreg.gather [hbm4b:s13+s3], $0x80, v5, vm0, $0xb8;
	[tilespmem:$0x19B00] =	vst v63  }
0x2ba: {  	s26 =	simm.s32 $0x18300  }
0x2bb: {  	[tilespmem:s26], [sflag:$0x3] =	stream.indirect_vreg.gather [hbm4b:s14+s3], $0x80, v5, vm0, $0xb8;
	[tilespmem:$0x19B00] =	vst v63  }
0x2bc: {  	s28 =	simm.s32 $0x18B00  }
0x2bd: {  	[tilespmem:s28], [sflag:$0x3] =	stream.indirect_vreg.gather [hbm4b:s16+s3], $0x80, v5, vm0, $0xb8;
	[tilespmem:$0x19B00] =	vst v63  }
0x2be: {  	s29 =	simm.s32 $0x19300  }
0x2bf: {  	[tilespmem:s29], [sflag:$0x3] =	stream.indirect_vreg.gather [hbm4b:s17+s3], $0x80, v5, vm0, $0xb8;
	[tilespmem:$0x19B00] =	vst v63  }
0x2c0: {  	_ =	swait.ge [sflag:s8], $0x8000  }
0x2c1: {  	[sflag:s8] =	ssyncset.done $0x0  }
0x2c2: {  	s30 =	rddreg [dreg:$0x10];
	[sflag:s8] =	ssyncadd.s32 $0xFFFF8000  }
0x2c3: {  	[hbm4b:s30+s3] =	stream.linear.scatter [tilespmem:s20], [sflag:$0x4], $0x8000, $0x38;
	[tilespmem:$0x19B00] =	vst v63  }
0x2c4: {  	_ =	swait.ge [sflag:s4], $0x8000  }
0x2c5: {  	[sflag:s4] =	ssyncset.done $0x0  }
0x2c6: {  	[sflag:s4] =	ssyncadd.s32 $0xFFFF8000  }
0x2c7: {  	v5 =	vld [tilespmem:$0x1AF0];
	_ =	sdelay $0x4  }
0x2c8: {  	v6 =	vshll.u32 v5, $0x4  }
0x2c9: {  	v5 =	vand.u32 $0x7, v5;
	v6 =	vand.u32 $0xFFFFFF80, v6  }
0x2ca: {  	v5 =	vor.u32 v5, v6  }
0x2cb: {  	v6 =	vperm.xlane v5, v2;
	_ =	sdelay $0x1  }
0x2cc: {  	v6 =	vadd.s32 v3, v6;
	_ =	sdelay $0x4  }
0x2cd: {  	[tilespmem:s20], [sflag:$0x1] =	stream.indirect_vreg.gather [hbm4b:s1+s3], $0x80, v6, vm0, $0xb8;
	[tilespmem:$0x19B00] =	vst v63  }
0x2ce: {  	s31 =	simm.s32 $0x2300  }
0x2cf: {  	[tilespmem:s31], [sflag:$0x1] =	stream.indirect_vreg.gather [hbm4b:s10+s3], $0x80, v6, vm0, $0xb8;
	[tilespmem:$0x19B00] =	vst v63  }
0x2d0: {  	s7 =	simm.s32 $0x2B00  }
0x2d1: {  	[tilespmem:s7], [sflag:$0x1] =	stream.indirect_vreg.gather [hbm4b:s11+s3], $0x80, v6, vm0, $0xb8;
	[tilespmem:$0x19B00] =	vst v63  }
0x2d2: {  	s15 =	simm.s32 $0x3300  }
0x2d3: {  	[tilespmem:s15], [sflag:$0x1] =	stream.indirect_vreg.gather [hbm4b:s12+s3], $0x80, v6, vm0, $0xb8;
	[tilespmem:$0x19B00] =	vst v63  }
0x2d4: {  	s25 =	simm.s32 $0x3B00  }
0x2d5: {  	[tilespmem:s25], [sflag:$0x1] =	stream.indirect_vreg.gather [hbm4b:s13+s3], $0x80, v6, vm0, $0xb8;
	[tilespmem:$0x19B00] =	vst v63  }
0x2d6: {  	s26 =	simm.s32 $0x4300;
	v5 =	vperm.xlane v5, v4  }
0x2d7: {  	[tilespmem:s26], [sflag:$0x1] =	stream.indirect_vreg.gather [hbm4b:s14+s3], $0x80, v6, vm0, $0xb8;
	[tilespmem:$0x19B00] =	vst v63  }
0x2d8: {  	s22 =	simm.s32 $0x4B00;
	v5 =	vadd.s32 v3, v5  }
0x2d9: {  	[tilespmem:s22], [sflag:$0x1] =	stream.indirect_vreg.gather [hbm4b:s16+s3], $0x80, v6, vm0, $0xb8;
	[tilespmem:$0x19B00] =	vst v63  }
0x2da: {  	s28 =	simm.s32 $0x5300  }
0x2db: {  	[tilespmem:s28], [sflag:$0x1] =	stream.indirect_vreg.gather [hbm4b:s17+s3], $0x80, v6, vm0, $0xb8;
	[tilespmem:$0x19B00] =	vst v63  }
0x2dc: {  	s29 =	simm.s32 $0x5B00  }
0x2dd: {  	[tilespmem:s29], [sflag:$0x1] =	stream.indirect_vreg.gather [hbm4b:s1+s3], $0x80, v5, vm0, $0xb8;
	[tilespmem:$0x19B00] =	vst v63  }
0x2de: {  	s30 =	simm.s32 $0x6300  }
0x2df: {  	[tilespmem:s30], [sflag:$0x1] =	stream.indirect_vreg.gather [hbm4b:s10+s3], $0x80, v5, vm0, $0xb8;
	[tilespmem:$0x19B00] =	vst v63  }
0x2e0: {  	s31 =	simm.s32 $0x6B00  }
0x2e1: {  	[tilespmem:s31], [sflag:$0x1] =	stream.indirect_vreg.gather [hbm4b:s11+s3], $0x80, v5, vm0, $0xb8;
	[tilespmem:$0x19B00] =	vst v63  }
0x2e2: {  	s15 =	simm.s32 $0x7300  }
0x2e3: {  	[tilespmem:s15], [sflag:$0x1] =	stream.indirect_vreg.gather [hbm4b:s12+s3], $0x80, v5, vm0, $0xb8;
	[tilespmem:$0x19B00] =	vst v63  }
0x2e4: {  	s21 =	simm.s32 $0x7B00  }
0x2e5: {  	[tilespmem:s21], [sflag:$0x1] =	stream.indirect_vreg.gather [hbm4b:s13+s3], $0x80, v5, vm0, $0xb8;
	[tilespmem:$0x19B00] =	vst v63  }
0x2e6: {  	s22 =	simm.s32 $0x8300  }
0x2e7: {  	[tilespmem:s22], [sflag:$0x1] =	stream.indirect_vreg.gather [hbm4b:s14+s3], $0x80, v5, vm0, $0xb8;
	[tilespmem:$0x19B00] =	vst v63  }
0x2e8: {  	s25 =	simm.s32 $0x8B00  }
0x2e9: {  	[tilespmem:s25], [sflag:$0x1] =	stream.indirect_vreg.gather [hbm4b:s16+s3], $0x80, v5, vm0, $0xb8;
	[tilespmem:$0x19B00] =	vst v63  }
0x2ea: {  	s26 =	simm.s32 $0x9300  }
0x2eb: {  	[tilespmem:s26], [sflag:$0x1] =	stream.indirect_vreg.gather [hbm4b:s17+s3], $0x80, v5, vm0, $0xb8;
	[tilespmem:$0x19B00] =	vst v63  }
0x2ec: {  	_ =	swait.ge [sflag:s9], $0x8000  }
0x2ed: {  	[sflag:s9] =	ssyncset.done $0x0  }
0x2ee: {  	s2 =	simm.s32 $0x9B00;
	s28 =	rddreg [dreg:$0x11];
	[sflag:s9] =	ssyncadd.s32 $0xFFFF8000  }
0x2ef: {  	[hbm4b:s28+s3] =	stream.linear.scatter [tilespmem:s2], [sflag:$0x5], $0x8000, $0x38;
	[tilespmem:$0x19B00] =	vst v63  }
0x2f0: {  	_ =	swait.ge [sflag:s19], $0x8000  }
0x2f1: {  	[sflag:s19] =	ssyncset.done $0x0  }
0x2f2: {  	s23 =	simm.s32 $0x11B00;
	s29 =	rddreg [dreg:$0x12];
	[sflag:s19] =	ssyncadd.s32 $0xFFFF8000  }
0x2f3: {  	[hbm4b:s29+s3] =	stream.linear.scatter [tilespmem:s23], [sflag:$0x6], $0x8000, $0x38;
	[tilespmem:$0x19B00] =	vst v63  }
0x2f4: {  	_ =	swait.ge [sflag:s8], $0x8000  }
0x2f5: {  	[sflag:s8] =	ssyncset.done $0x0  }
0x2f6: {  	s30 =	rddreg [dreg:$0x13];
	[sflag:s8] =	ssyncadd.s32 $0xFFFF8000  }
0x2f7: {  	[hbm4b:s30+s3] =	stream.linear.scatter [tilespmem:s20], [sflag:$0x4], $0x8000, $0x38;
	[tilespmem:$0x19B00] =	vst v63  }
0x2f8: {  	_ =	swait.ge [sflag:s4], $0x8000  }
0x2f9: {  	[sflag:s4] =	ssyncset.done $0x0  }
0x2fa: {  	[sflag:s4] =	ssyncadd.s32 $0xFFFF8000  }
0x2fb: {  	_ =	swait.ge [sflag:s18], $0x8000  }
0x2fc: {  	[sflag:s18] =	ssyncset.done $0x0  }
0x2fd: {  	[sflag:s18] =	ssyncadd.s32 $0xFFFF8000  }
0x2fe: {  	_ =	swait.ge [sflag:s0], $0x8000  }
0x2ff: {  	s31 =	rddreg [dreg:$0x1c]  }
0x300: {  	s22 =	sadd.s32 $0x1, s31  }
0x301: {  	p1 =	sne.s32 s22, s5  }
.Ltmp1:
0x302: {  	_ = 	snop;
	(pc) =	sbr.rel @!p1 .LBB2_6-.Ltmp1, $3  }
0x303: {  	_ =	sdelay $0x1  }
0x304: {  	[sflag:s0] =	ssyncset.done $0x0  }
0x305: {  	[sflag:s0] =	ssyncadd.s32 $0xFFFF8000  }
.LBB2_1:
.Ltmp2:
0x306: {  	(pc) =	sbr.rel @p0 .LBB2_5-.Ltmp2, $2  }
0x307: {  	_ =	sdelay $0x2  }
0x308: {  	s20 =	smov.u32 s22  }
0x309: {  	s21 =	simm.s32 $0x0;
	s22 =	rddreg [dreg:$0x5]  }
0x30a: {  	s23 =	simm.s32 $0x80;
	s5 =	simm.s32 $0x200;
	s25 =	simm.s32 $0x7  }
0x30b: {  	[tilespmem:s21], [sflag:$0x7] =	stream.strided.gather [hbm4b:s22+s23], $0x1000, s5, s23, $0x38;
	[tilespmem:$0x19B00] =	vst v63  }
0x30c: {  	_ =	swait.ge [sflag:s25], $0x1000  }
0x30d: {  	[sflag:s25] =	ssyncset.done $0x0  }
0x30e: {  	s28 =	simm.s32 $0x1000;
	s26 =	rddreg [dreg:$0x6];
	[sflag:s25] =	ssyncadd.s32 $0xFFFFF000  }
0x30f: {  	[tilespmem:s28], [sflag:$0x7] =	stream.linear.gather [hbm4b:s26+s21], $0x80, $0x38;
	[tilespmem:$0x19B00] =	vst v63  }
0x310: {  	_ =	swait.ge [sflag:s25], $0x80  }
0x311: {  	[sflag:s25] =	ssyncset.done $0x0  }
0x312: {  	s30 =	simm.s32 $0x1080;
	s29 =	rddreg [dreg:$0x7];
	[sflag:s25] =	ssyncadd.s32 $0xFFFFFF80  }
0x313: {  	[tilespmem:s30], [sflag:$0x7] =	stream.linear.gather [hbm4b:s29+s21], $0x80, $0x38;
	[tilespmem:$0x19B00] =	vst v63  }
0x314: {  	_ =	swait.ge [sflag:s25], $0x80  }
0x315: {  	[sflag:s25] =	ssyncset.done $0x0  }
0x316: {  	[sflag:s25] =	ssyncadd.s32 $0xFFFFFF80  }
0x317: {  	s31 =	simm.s32 $0x0;
	v5 =	vld [tilespmem:$0x1000]  }
0x318: {  	v7 =	vld [tilespmem:s31+$0x0];
	_ =	sdelay $0x4  }
0x319: {  	vm1 =	veq.s32 v7, v5  }
0x31a: {  	v6 =	vsel vm1, $0x1, v1  }
0x31b: {  	(xrf0) =	vadd.scan.msk.s32 $0xffff, v6;
	_ =	sdelay $0x2  }
0x31c: {  	v6 =	vld [tilespmem:$0x1080];
	_ =	sdelay $0x2  }
0x31d: {  	v9 =	vimm.s32 $0x0;
	v8, _, _ =	vpop (xrf0)  }
0x31e: {  	v8 =	vadd.s32 v9, v8  }
0x31f: {  	vm2 =	vle.s32 v8, v6  }
0x320: {  	vm3 =	vgt.s32 v7, v5;
	vm2 =	vmand vm1, vm2  }
0x321: {  	vm2 =	vmor vm3, vm2  }
0x322: {  	v7 =	vsel vm2, $0x1, v1  }
0x323: {  	(xrf0) =	vadd.scan.msk.s32 $0xffff, v7;
	_ =	sdelay $0x5  }
0x324: {  	v7, _, _ =	vpop (xrf0)  }
0x325: {  	v7 =	vadd.s32 v7, v9  }
0x326: {  	v8 =	vmpcnt.ones.xlane vm1;
	v10 =	vmpcnt.ones.xlane vm2;
	v7 =	vadd.s32 $0xFFFFFFFF, v7  }
0x327: {  	s21 =	rddreg [dreg:$0x8]  }
0x328: {  	v8 =	vadd.s32 v9, v8;
	v10 =	vadd.s32 v9, v10;
	v9 =	vor.u32 s21, v0;
	_ =	sdelay $0x2  }
0x329: {  	s23 =	simm.s32 $0x10;
	s22 =	simm.s32 $0x80;
	[tilespmem:v7+s6+$0x0] =	vst.idx.msk vm2, v9;
	v9 =	vmov v8;
	v7 =	vmov v10  }
.LBB2_3:
0x32a: {  	p1 =	sne.s32 s22, $0x3FC0;
	v11 =	vld [tilespmem:s23+$0x0];
	_ =	sdelay $0x4  }
0x32b: {  	vm1 =	veq.s32 v11, v5  }
0x32c: {  	v12 =	vsel vm1, $0x1, v1;
	v13 =	vmpcnt.ones.xlane vm1  }
0x32d: {  	(xrf0) =	vadd.scan.msk.s32 $0xffff, v12  }
0x32e: {  	v8 =	vadd.s32 v8, v13;
	_ =	sdelay $0x4  }
0x32f: {  	v12, _, _ =	vpop (xrf0)  }
0x330: {  	v12 =	vadd.s32 v9, v12;
	v9 =	vmov v8  }
0x331: {  	vm2 =	vle.s32 v12, v6  }
0x332: {  	vm3 =	vgt.s32 v11, v5;
	vm1 =	vmand vm1, vm2  }
0x333: {  	vm1 =	vmor vm3, vm1  }
0x334: {  	v11 =	vsel vm1, $0x1, v1;
	v12 =	vmpcnt.ones.xlane vm1  }
0x335: {  	(xrf0) =	vadd.scan.msk.s32 $0xffff, v11  }
0x336: {  	v10 =	vadd.s32 v10, v12;
	_ =	sdelay $0x4  }
0x337: {  	v11, _, _ =	vpop (xrf0)  }
0x338: {  	v11 =	vadd.s32 v11, v7;
	v7 =	vmov v10  }
0x339: {  	v11 =	vadd.s32 $0xFFFFFFFF, v11  }
.Ltmp3:
0x33a: {  	(pc) =	sbr.rel @p1 .LBB2_3-.Ltmp3, $4  }
0x33b: {  	_ = 	snop  }
0x33c: {  	s21 =	sadd.s32 $0x10, s21  }
0x33d: {  	v12 =	vor.u32 s21, v0  }
0x33e: {  	s23 =	sshra.s32 s22, $0x2;
	s22 =	sadd.s32 $0x40, s22;
	[tilespmem:v11+s6+$0x0] =	vst.idx.msk vm1, v12  }
.Ltmp4:
0x33f: {  	_ = 	snop;
	(pc) =	sbr.rel .LBB2_4-.Ltmp4, $1  }
0x340: {  	_ =	sdelay $0x3  }
.LBB2_6:
0x341: {  	_ =	sfence.sel $0x180000  }
0x342: {  	[bflag:$0x0] =	sbarrier.arrive $0xFFFF  }
0x343: {  	_ =	strace $0x90000047  }
0x344: {  	s0 =	stileid.u32;
	[bflag:$0x2] =	sbarrier.arrive $0xFFFF  }
0x345: {  	p0 =	sne.s32 s0, $0x0;
	s0 =	rddreg [dreg:$0x4]  }
0x346: {  	s0 =	sadd.s32 @!p0 $0x100000, s0  }
0x347: {  	[sflag:s0] =	ssyncadd.tile.s32 @!p0 $0x1;
	_ =	shalt  }
.Lfunc_end2:
_tile_overlayer_lowered:
.L_overlay_start_2:
0x348: {  	(tag) =	ssettag $0x2  }
0x349: {  	s0 =	rddreg [dreg:$0x0];
	s2 =	stileid.u32  }
0x34a: {  	s1 =	rddreg [dreg:$0x1];
	p0 =	sne.s32 s2, $0x0  }
0x34b: {  	s3 =	rddreg [dreg:$0x2];
	[bflag:$0x3] =	sbarrier.arrive $0xFFFF;
	s2 =	simm.s32 @!p0 $0x1C07  }
0x34c: {  	[timem:s3], [sflag:s2] =	dma.local @!p0 [hbm:s0], s1  }
0x34d: {  	s0 =	simm.s32 @!p0 $0x7  }
0x34e: {  	_ =	swait.ge @!p0 [sflag:s0], s1  }
0x34f: {  	s1 =	ssub.s32 @!p0 $0x0, s1;
	[sflag:s0] =	ssyncset.done @!p0 $0x0  }
0x350: {  	[sflag:s0] =	ssyncadd.s32 @!p0 s1  }
0x351: {  	[bflag:$0x3] =	sbarrier.arrive $0xFFFF  }
0x352: {  	_ =	shalt  }

</sc_bundles>
